<compile_context>
chip_gen: v7x
topology: tpu7x:2x2x1
jax: 0.10.2.dev20260603
libtpu: 0.0.44.dev20260713+nightly
codegen_flags: <defaults>
</compile_context>

<pallas_src>
import functools

import jax
import jax.numpy as jnp
from jax.experimental import pallas as pl
from jax.experimental.pallas import tpu as pltpu
from jax.experimental.pallas import tpu_sc as plsc

_B, _N, _DT, _DL, _K = 64, 4096, 512, 128, 8192

_SC_INFO = plsc.get_sparse_core_info()
_NW = _SC_INFO.num_cores * _SC_INFO.num_subcores
_LANES = _SC_INFO.num_lanes
_ROWS_PER_W = _K // _NW


@functools.partial(
    pl.kernel,
    mesh=plsc.VectorSubcoreMesh(core_axis_name="c", subcore_axis_name="s"),
    out_type=jax.ShapeDtypeStruct((_K,), jnp.float32),
    scratch_types=[
        pltpu.VMEM((_DL, _ROWS_PER_W), jnp.float32),
        pltpu.VMEM((_ROWS_PER_W,), jnp.float32),
    ],
)
def _cnorms_sc(cbt_hbm, out_hbm, cols_v, norm_v):
    wid = jax.lax.axis_index("s") * _SC_INFO.num_cores + jax.lax.axis_index("c")
    base = wid * _ROWS_PER_W
    pltpu.sync_copy(cbt_hbm.at[:, pl.ds(base, _ROWS_PER_W)], cols_v)

    for g in range(_ROWS_PER_W // _LANES):
        v0 = cols_v[0, pl.ds(g * _LANES, _LANES)]

        def _acc(d, acc, _g=g):
            v = cols_v[d, pl.ds(_g * _LANES, _LANES)]
            return acc + v * v

        norm_v[pl.ds(g * _LANES, _LANES)] = jax.lax.fori_loop(
            1, _DL, _acc, v0 * v0
        )
    pltpu.sync_copy(norm_v, out_hbm.at[pl.ds(base, _ROWS_PER_W)])
_ROWS = 8
_S1_STEPS = _B // _ROWS


def _body(
    pit_ref, w1_ref, b1_ref, w2_ref,
    et_ref, b2_ref, w3g_ref, w3e_ref, b3_ref, w4_ref, b4_ref, cb_ref,
    cn_ref,
    zqst_ref, ze_ref, loss_ref, idx_ref,
    gf_s,
):
    step = pl.program_id(0)

    @pl.when(step < _S1_STEPS)
    def _stage1():
        zeros = jnp.zeros((4, _N), jnp.float32)
        for r in range(_ROWS):
            pi = jnp.concatenate([pit_ref[r], zeros], axis=0)
            h = jnp.maximum(
                jnp.dot(w1_ref[...], pi, preferred_element_type=jnp.float32)
                + b1_ref[...],
                0.0,
            )
            pf = jnp.dot(w2_ref[...], h, preferred_element_type=jnp.float32)
            gf_s[pl.ds(step * _ROWS + r, 1), :] = jnp.max(pf, axis=1)[None, :]

    @pl.when(step == _S1_STEPS)
    def _stage2():
        gfb = gf_s[...].T + b2_ref[...]
        h2 = jnp.maximum(
            jnp.dot(w3g_ref[...], gfb, preferred_element_type=jnp.float32)
            + jnp.dot(w3e_ref[...], et_ref[...], preferred_element_type=jnp.float32)
            + b3_ref[...],
            0.0,
        )
        zet = (
            jnp.dot(w4_ref[...], h2, preferred_element_type=jnp.float32)
            + b4_ref[...]
        )

        cb = cb_ref[...]
        cnsq = cn_ref[...]
        zsq = jnp.sum(zet * zet, axis=0)[None, :]
        m = jnp.dot(cb, zet, preferred_element_type=jnp.float32)
        dt = zsq - 2.0 * m + cnsq

        lm = jnp.min(dt, axis=0)
        io = jax.lax.broadcasted_iota(jnp.int32, (_K, _B), 0)
        la = jnp.min(jnp.where(dt == lm[None, :], io, _K), axis=0)

        io2 = jax.lax.broadcasted_iota(jnp.int32, (_B, _K), 1)
        oh = (io2 == la[:, None]).astype(jnp.float32)
        zq = jnp.dot(oh, cb, preferred_element_type=jnp.float32)

        ze = zet.T
        ze_ref[...] = ze
        zqst_ref[...] = ze + (zq - ze)
        diff = zq - ze
        loss_ref[...] = (jnp.sum(diff * diff) / (_B * _DL))[None, None]
        idx_ref[...] = la[:, None]


def kernel(x, s, e, W1, b1, W2, b2, W3, b3, W4, b4, codebook):
    pit = jnp.concatenate([jnp.swapaxes(x, 1, 2), s[:, None, :]], axis=1)
    w1z = jnp.concatenate([W1, jnp.zeros((64, 4), jnp.float32)], axis=1)
    w3g = W3[:, :_DL]
    w3e = W3[:, _DL:]

    const = lambda b: (0, 0)
    zqst, ze, loss, idx = pl.pallas_call(
        _body,
        grid=(_S1_STEPS + 1,),
        in_specs=[
            pl.BlockSpec(
                (_ROWS, 4, _N),
                lambda b: (jnp.minimum(b, _S1_STEPS - 1), 0, 0),
            ),
            pl.BlockSpec((64, 8), const),
            pl.BlockSpec((64, 1), const),
            pl.BlockSpec((_DL, 64), const),
            pl.BlockSpec((_DT, _B), const),
            pl.BlockSpec((_DL, 1), const),
            pl.BlockSpec((256, _DL), const),
            pl.BlockSpec((256, _DT), const),
            pl.BlockSpec((256, 1), const),
            pl.BlockSpec((_DL, 256), const),
            pl.BlockSpec((_DL, 1), const),
            pl.BlockSpec((_K, _DL), const),
            pl.BlockSpec((_K, 1), const),
        ],
        out_specs=[
            pl.BlockSpec((_B, _DL), const),
            pl.BlockSpec((_B, _DL), const),
            pl.BlockSpec((1, 1), const),
            pl.BlockSpec((_B, 1), const),
        ],
        out_shape=[
            jax.ShapeDtypeStruct((_B, _DL), jnp.float32),
            jax.ShapeDtypeStruct((_B, _DL), jnp.float32),
            jax.ShapeDtypeStruct((1, 1), jnp.float32),
            jax.ShapeDtypeStruct((_B, 1), jnp.int32),
        ],
        scratch_shapes=[
            pltpu.VMEM((_B, _DL), jnp.float32),
        ],
        compiler_params=pltpu.CompilerParams(
            dimension_semantics=("arbitrary",),
            vmem_limit_bytes=100 * 1024 * 1024,
        ),
    )(
        pit, w1z, b1.reshape(-1, 1), W2,
        e.T, b2.reshape(-1, 1), w3g, w3e, b3.reshape(-1, 1), W4,
        b4.reshape(-1, 1), codebook, _cnorms_sc(codebook.T).reshape(_K, 1),
    )

    loss = loss.reshape(())
    return (zqst, ze, loss, loss, idx.reshape(_B))

# --- scband reference (transcript-rebuilt; emitter-appended) ---
"""Pipeline reference for scband-shape-vqencoder-9912784519236 (READ-ONLY COPY).

The authoritative reference and input builder live on the scoring server;
editing this copy changes nothing except your own understanding.
"""

import jax, jax.numpy as jnp
import numpy as np

B, N, D_TEXT, D_LAT, K = 64, 4096, 512, 128, 8192

def _linear_params(key, fan_in, fan_out):
    lim = 1.0 / np.sqrt(fan_in)
    kw, kb = jax.random.split(key)
    W = jax.random.uniform(kw, (fan_out, fan_in), minval=-lim, maxval=lim, dtype=jnp.float32)
    b = jax.random.uniform(kb, (fan_out,), minval=-lim, maxval=lim, dtype=jnp.float32)
    return W, b

def setup_inputs(seed: int = 0):
    key = jax.random.key(seed)
    ks = jax.random.split(key, 8)
    x = jax.random.normal(ks[0], (B, N, 3), dtype=jnp.float32)
    s = jax.random.normal(ks[1], (B, N), dtype=jnp.float32)
    e = jax.random.normal(ks[2], (B, D_TEXT), dtype=jnp.float32)
    W1, b1 = _linear_params(ks[3], 4, 64)
    W2, b2 = _linear_params(ks[4], 64, 128)
    W3, b3 = _linear_params(ks[5], 128 + D_TEXT, 256)
    W4, b4 = _linear_params(ks[6], 256, D_LAT)
    codebook = jax.random.uniform(ks[7], (K, D_LAT), minval=-1.0 / K, maxval=1.0 / K, dtype=jnp.float32)
    return {"x": x, "s": s, "e": e, "W1": W1, "b1": b1, "W2": W2, "b2": b2, "W3": W3, "b3": b3, "W4": W4, "b4": b4, "codebook": codebook}

def reference(x, s, e, W1, b1, W2, b2, W3, b3, W4, b4, codebook):
    point_inp = jnp.concatenate([x, s[..., None]], axis=-1)
    h = jnp.maximum(point_inp @ W1.T + b1, 0.0)
    point_feat = h @ W2.T + b2
    global_feat = jnp.max(point_feat, axis=1)
    combined = jnp.concatenate([global_feat, e], axis=-1)
    h2 = jnp.maximum(combined @ W3.T + b3, 0.0)
    z_e = h2 @ W4.T + b4
    distances = jnp.sum(z_e ** 2, axis=1, keepdims=True) - 2.0 * (z_e @ codebook.T) + jnp.sum(codebook ** 2, axis=1)
    indices = jnp.argmin(distances, axis=1)
    z_q = jnp.take(codebook, indices, axis=0)
    codebook_loss = jnp.mean((z_q - jax.lax.stop_gradient(z_e)) ** 2)
    commitment_loss = jnp.mean((z_e - jax.lax.stop_gradient(z_q)) ** 2)
    z_q_st = z_e + jax.lax.stop_gradient(z_q - z_e)
    return (z_q_st, z_e, codebook_loss, commitment_loss, indices)

if __name__ == "__main__":
    import jax
    _d = setup_inputs()
    print(jax.jit(kernel)(*tuple(_d.values())))

</pallas_src>

<mosaic_0001>
#map = affine_map<(d0, d1) -> (0, 0)>
#map1 = affine_map<(d0, d1) -> (0)>
module attributes {stable_mosaic.version = 14 : i64} {
  func.func @_cnorms_sc(%arg0: i32, %arg1: i32, %arg2: memref<128x8192xf32, #tpu.memory_space<hbm>>, %arg3: memref<8192xf32, #tpu.memory_space<hbm>>, %arg4: memref<128x256xf32, #tpu.memory_space<vmem>>, %arg5: memref<256xf32, #tpu.memory_space<vmem>>) attributes {dimension_semantics = [#tpu.dimension_semantics<core_parallel>, #tpu.dimension_semantics<subcore_parallel>], iteration_bounds = array<i64: 2, 16>, scalar_prefetch = 0 : i64, scratch_operands = 2 : i64, tpu.core_type = #tpu.core_type<sc_vector_subcore>, window_params = [{transform_indices = #map}, {transform_indices = #map1}]} {
    %mul3A = arith.constant 2 : i32
    %mul3A_0 = arith.muli %arg1, %mul3A : i32
    %add3A = arith.addi %mul3A_0, %arg0 : i32
    %mul3A_1 = arith.constant 256 : i32
    %mul3A_2 = arith.muli %add3A, %mul3A_1 : i32
    "tpu.region"() ({
      %run_scoped3A = tpu.sem_alloc : memref<!tpu.dma_semaphore, #tpu.memory_space<semaphore_mem>>
      %dma_start3A = arith.constant 0 : i32
      %dma_start3A_256 = tpu.memref_slice %arg2[%dma_start3A, %mul3A_2] : memref<128x8192xf32, #tpu.memory_space<hbm>> -> memref<128x256xf32, #tpu.memory_space<hbm>>
      %dma_start3A_257 = arith.constant 0 : i32
      %dma_start3A_258 = tpu.memref_slice %arg2[%dma_start3A_257, %mul3A_2] : memref<128x8192xf32, #tpu.memory_space<hbm>> -> memref<128x256xf32, #tpu.memory_space<hbm>>
      tpu.enqueue_dma source(%dma_start3A_258 : memref<128x256xf32, #tpu.memory_space<hbm>>) target(%arg4 : memref<128x256xf32, #tpu.memory_space<vmem>>) target_semaphore(%run_scoped3A : memref<!tpu.dma_semaphore, #tpu.memory_space<semaphore_mem>>)
      %dma_wait3A = arith.constant 0 : i32
      %dma_wait3A_259 = tpu.memref_slice %arg2[%dma_wait3A, %mul3A_2] : memref<128x8192xf32, #tpu.memory_space<hbm>> -> memref<128x256xf32, #tpu.memory_space<hbm>>
      %dma_wait3A_260 = arith.constant 0 : i32
      %dma_wait3A_261 = tpu.memref_slice %arg2[%dma_wait3A_260, %mul3A_2] : memref<128x8192xf32, #tpu.memory_space<hbm>> -> memref<128x256xf32, #tpu.memory_space<hbm>>
      tpu.wait_dma2 semaphore(%run_scoped3A : memref<!tpu.dma_semaphore, #tpu.memory_space<semaphore_mem>>) src(%dma_wait3A_261 : memref<128x256xf32, #tpu.memory_space<hbm>>) dst(%arg4 : memref<128x256xf32, #tpu.memory_space<vmem>>)
      tpu.yield
    }) : () -> ()
    %get3A = arith.constant 0 : i32
    %get3A_3 = arith.index_cast %get3A : i32 to index
    %get3A_4 = arith.constant 0 : index
    %get3A_5 = tpu.vector_load %arg4[%get3A_3, %get3A_4] {strides = array<i32>} : memref<128x256xf32, #tpu.memory_space<vmem>>, vector<1x16xf32>,
    %get3A_6 = vector.shape_cast %get3A_5 : vector<1x16xf32> to vector<16xf32>
    %mul3A_7 = arith.mulf %get3A_6, %get3A_6 : vector<16xf32>
    %scan3A = arith.constant 1 : i32
    %scan3A_8 = arith.constant 127 : i32
    %scan3A_9 = arith.addi %scan3A, %scan3A_8 : i32
    %scan3A_10 = arith.constant 1 : i32
    %scan3A_11 = scf.for %scan3A_256 = %scan3A to %scan3A_9 step %scan3A_10 iter_args(%scan3A_257 = %mul3A_7) -> (vector<16xf32>)  : i32 {
      %get3A_258 = arith.index_cast %scan3A_256 : i32 to index
      %get3A_259 = arith.constant 0 : index
      %get3A_260 = tpu.vector_load %arg4[%get3A_258, %get3A_259] {strides = array<i32>} : memref<128x256xf32, #tpu.memory_space<vmem>>, vector<1x16xf32>,
      %get3A_261 = vector.shape_cast %get3A_260 : vector<1x16xf32> to vector<16xf32>
      %mul3A_262 = arith.mulf %get3A_261, %get3A_261 : vector<16xf32>
      %add3A_263 = arith.addf %scan3A_257, %mul3A_262 : vector<16xf32>
      scf.yield %add3A_263 : vector<16xf32>
    }
    %scan3A_12 = arith.constant 127 : i32
    %swap3A = arith.constant 0 : index
    %swap3A_13 = tpu.vector_load %arg5[%swap3A] {strides = array<i32>} : memref<256xf32, #tpu.memory_space<vmem>>, vector<16xf32>,
    %swap3A_14 = vector.shape_cast %swap3A_13 : vector<16xf32> to vector<16xf32>
    %swap3A_15 = vector.shape_cast %scan3A_11 : vector<16xf32> to vector<16xf32>
    tpu.vector_store %arg5[%swap3A], %swap3A_15 {strides = array<i32>} : memref<256xf32, #tpu.memory_space<vmem>>, vector<16xf32>,
    %get3A_16 = arith.constant 0 : i32
    %get3A_17 = arith.index_cast %get3A_16 : i32 to index
    %get3A_18 = arith.constant 16 : index
    %get3A_19 = tpu.vector_load %arg4[%get3A_17, %get3A_18] {strides = array<i32>} : memref<128x256xf32, #tpu.memory_space<vmem>>, vector<1x16xf32>,
    %get3A_20 = vector.shape_cast %get3A_19 : vector<1x16xf32> to vector<16xf32>
    %mul3A_21 = arith.mulf %get3A_20, %get3A_20 : vector<16xf32>
    %scan3A_22 = arith.constant 1 : i32
    %scan3A_23 = arith.constant 127 : i32
    %scan3A_24 = arith.addi %scan3A_22, %scan3A_23 : i32
    %scan3A_25 = arith.constant 1 : i32
    %scan3A_26 = scf.for %scan3A_256 = %scan3A_22 to %scan3A_24 step %scan3A_25 iter_args(%scan3A_257 = %mul3A_21) -> (vector<16xf32>)  : i32 {
      %get3A_258 = arith.index_cast %scan3A_256 : i32 to index
      %get3A_259 = arith.constant 16 : index
      %get3A_260 = tpu.vector_load %arg4[%get3A_258, %get3A_259] {strides = array<i32>} : memref<128x256xf32, #tpu.memory_space<vmem>>, vector<1x16xf32>,
      %get3A_261 = vector.shape_cast %get3A_260 : vector<1x16xf32> to vector<16xf32>
      %mul3A_262 = arith.mulf %get3A_261, %get3A_261 : vector<16xf32>
      %add3A_263 = arith.addf %scan3A_257, %mul3A_262 : vector<16xf32>
      scf.yield %add3A_263 : vector<16xf32>
    }
    %scan3A_27 = arith.constant 127 : i32
    %swap3A_28 = arith.constant 16 : index
    %swap3A_29 = tpu.vector_load %arg5[%swap3A_28] {strides = array<i32>} : memref<256xf32, #tpu.memory_space<vmem>>, vector<16xf32>,
    %swap3A_30 = vector.shape_cast %swap3A_29 : vector<16xf32> to vector<16xf32>
    %swap3A_31 = vector.shape_cast %scan3A_26 : vector<16xf32> to vector<16xf32>
    tpu.vector_store %arg5[%swap3A_28], %swap3A_31 {strides = array<i32>} : memref<256xf32, #tpu.memory_space<vmem>>, vector<16xf32>,
    %get3A_32 = arith.constant 0 : i32
    %get3A_33 = arith.index_cast %get3A_32 : i32 to index
    %get3A_34 = arith.constant 32 : index
    %get3A_35 = tpu.vector_load %arg4[%get3A_33, %get3A_34] {strides = array<i32>} : memref<128x256xf32, #tpu.memory_space<vmem>>, vector<1x16xf32>,
    %get3A_36 = vector.shape_cast %get3A_35 : vector<1x16xf32> to vector<16xf32>
    %mul3A_37 = arith.mulf %get3A_36, %get3A_36 : vector<16xf32>
    %scan3A_38 = arith.constant 1 : i32
    %scan3A_39 = arith.constant 127 : i32
    %scan3A_40 = arith.addi %scan3A_38, %scan3A_39 : i32
    %scan3A_41 = arith.constant 1 : i32
    %scan3A_42 = scf.for %scan3A_256 = %scan3A_38 to %scan3A_40 step %scan3A_41 iter_args(%scan3A_257 = %mul3A_37) -> (vector<16xf32>)  : i32 {
      %get3A_258 = arith.index_cast %scan3A_256 : i32 to index
      %get3A_259 = arith.constant 32 : index
      %get3A_260 = tpu.vector_load %arg4[%get3A_258, %get3A_259] {strides = array<i32>} : memref<128x256xf32, #tpu.memory_space<vmem>>, vector<1x16xf32>,
      %get3A_261 = vector.shape_cast %get3A_260 : vector<1x16xf32> to vector<16xf32>
      %mul3A_262 = arith.mulf %get3A_261, %get3A_261 : vector<16xf32>
      %add3A_263 = arith.addf %scan3A_257, %mul3A_262 : vector<16xf32>
      scf.yield %add3A_263 : vector<16xf32>
    }
    %scan3A_43 = arith.constant 127 : i32
    %swap3A_44 = arith.constant 32 : index
    %swap3A_45 = tpu.vector_load %arg5[%swap3A_44] {strides = array<i32>} : memref<256xf32, #tpu.memory_space<vmem>>, vector<16xf32>,
    %swap3A_46 = vector.shape_cast %swap3A_45 : vector<16xf32> to vector<16xf32>
    %swap3A_47 = vector.shape_cast %scan3A_42 : vector<16xf32> to vector<16xf32>
    tpu.vector_store %arg5[%swap3A_44], %swap3A_47 {strides = array<i32>} : memref<256xf32, #tpu.memory_space<vmem>>, vector<16xf32>,
    %get3A_48 = arith.constant 0 : i32
    %get3A_49 = arith.index_cast %get3A_48 : i32 to index
    %get3A_50 = arith.constant 48 : index
    %get3A_51 = tpu.vector_load %arg4[%get3A_49, %get3A_50] {strides = array<i32>} : memref<128x256xf32, #tpu.memory_space<vmem>>, vector<1x16xf32>,
    %get3A_52 = vector.shape_cast %get3A_51 : vector<1x16xf32> to vector<16xf32>
    %mul3A_53 = arith.mulf %get3A_52, %get3A_52 : vector<16xf32>
    %scan3A_54 = arith.constant 1 : i32
    %scan3A_55 = arith.constant 127 : i32
    %scan3A_56 = arith.addi %scan3A_54, %scan3A_55 : i32
    %scan3A_57 = arith.constant 1 : i32
    %scan3A_58 = scf.for %scan3A_256 = %scan3A_54 to %scan3A_56 step %scan3A_57 iter_args(%scan3A_257 = %mul3A_53) -> (vector<16xf32>)  : i32 {
      %get3A_258 = arith.index_cast %scan3A_256 : i32 to index
      %get3A_259 = arith.constant 48 : index
      %get3A_260 = tpu.vector_load %arg4[%get3A_258, %get3A_259] {strides = array<i32>} : memref<128x256xf32, #tpu.memory_space<vmem>>, vector<1x16xf32>,
      %get3A_261 = vector.shape_cast %get3A_260 : vector<1x16xf32> to vector<16xf32>
      %mul3A_262 = arith.mulf %get3A_261, %get3A_261 : vector<16xf32>
      %add3A_263 = arith.addf %scan3A_257, %mul3A_262 : vector<16xf32>
      scf.yield %add3A_263 : vector<16xf32>
    }
    %scan3A_59 = arith.constant 127 : i32
    %swap3A_60 = arith.constant 48 : index
    %swap3A_61 = tpu.vector_load %arg5[%swap3A_60] {strides = array<i32>} : memref<256xf32, #tpu.memory_space<vmem>>, vector<16xf32>,
    %swap3A_62 = vector.shape_cast %swap3A_61 : vector<16xf32> to vector<16xf32>
    %swap3A_63 = vector.shape_cast %scan3A_58 : vector<16xf32> to vector<16xf32>
    tpu.vector_store %arg5[%swap3A_60], %swap3A_63 {strides = array<i32>} : memref<256xf32, #tpu.memory_space<vmem>>, vector<16xf32>,
    %get3A_64 = arith.constant 0 : i32
    %get3A_65 = arith.index_cast %get3A_64 : i32 to index
    %get3A_66 = arith.constant 64 : index
    %get3A_67 = tpu.vector_load %arg4[%get3A_65, %get3A_66] {strides = array<i32>} : memref<128x256xf32, #tpu.memory_space<vmem>>, vector<1x16xf32>,
    %get3A_68 = vector.shape_cast %get3A_67 : vector<1x16xf32> to vector<16xf32>
    %mul3A_69 = arith.mulf %get3A_68, %get3A_68 : vector<16xf32>
    %scan3A_70 = arith.constant 1 : i32
    %scan3A_71 = arith.constant 127 : i32
    %scan3A_72 = arith.addi %scan3A_70, %scan3A_71 : i32
    %scan3A_73 = arith.constant 1 : i32
    %scan3A_74 = scf.for %scan3A_256 = %scan3A_70 to %scan3A_72 step %scan3A_73 iter_args(%scan3A_257 = %mul3A_69) -> (vector<16xf32>)  : i32 {
      %get3A_258 = arith.index_cast %scan3A_256 : i32 to index
      %get3A_259 = arith.constant 64 : index
      %get3A_260 = tpu.vector_load %arg4[%get3A_258, %get3A_259] {strides = array<i32>} : memref<128x256xf32, #tpu.memory_space<vmem>>, vector<1x16xf32>,
      %get3A_261 = vector.shape_cast %get3A_260 : vector<1x16xf32> to vector<16xf32>
      %mul3A_262 = arith.mulf %get3A_261, %get3A_261 : vector<16xf32>
      %add3A_263 = arith.addf %scan3A_257, %mul3A_262 : vector<16xf32>
      scf.yield %add3A_263 : vector<16xf32>
    }
    %scan3A_75 = arith.constant 127 : i32
    %swap3A_76 = arith.constant 64 : index
    %swap3A_77 = tpu.vector_load %arg5[%swap3A_76] {strides = array<i32>} : memref<256xf32, #tpu.memory_space<vmem>>, vector<16xf32>,
    %swap3A_78 = vector.shape_cast %swap3A_77 : vector<16xf32> to vector<16xf32>
    %swap3A_79 = vector.shape_cast %scan3A_74 : vector<16xf32> to vector<16xf32>
    tpu.vector_store %arg5[%swap3A_76], %swap3A_79 {strides = array<i32>} : memref<256xf32, #tpu.memory_space<vmem>>, vector<16xf32>,
    %get3A_80 = arith.constant 0 : i32
    %get3A_81 = arith.index_cast %get3A_80 : i32 to index
    %get3A_82 = arith.constant 80 : index
    %get3A_83 = tpu.vector_load %arg4[%get3A_81, %get3A_82] {strides = array<i32>} : memref<128x256xf32, #tpu.memory_space<vmem>>, vector<1x16xf32>,
    %get3A_84 = vector.shape_cast %get3A_83 : vector<1x16xf32> to vector<16xf32>
    %mul3A_85 = arith.mulf %get3A_84, %get3A_84 : vector<16xf32>
    %scan3A_86 = arith.constant 1 : i32
    %scan3A_87 = arith.constant 127 : i32
    %scan3A_88 = arith.addi %scan3A_86, %scan3A_87 : i32
    %scan3A_89 = arith.constant 1 : i32
    %scan3A_90 = scf.for %scan3A_256 = %scan3A_86 to %scan3A_88 step %scan3A_89 iter_args(%scan3A_257 = %mul3A_85) -> (vector<16xf32>)  : i32 {
      %get3A_258 = arith.index_cast %scan3A_256 : i32 to index
      %get3A_259 = arith.constant 80 : index
      %get3A_260 = tpu.vector_load %arg4[%get3A_258, %get3A_259] {strides = array<i32>} : memref<128x256xf32, #tpu.memory_space<vmem>>, vector<1x16xf32>,
      %get3A_261 = vector.shape_cast %get3A_260 : vector<1x16xf32> to vector<16xf32>
      %mul3A_262 = arith.mulf %get3A_261, %get3A_261 : vector<16xf32>
      %add3A_263 = arith.addf %scan3A_257, %mul3A_262 : vector<16xf32>
      scf.yield %add3A_263 : vector<16xf32>
    }
    %scan3A_91 = arith.constant 127 : i32
    %swap3A_92 = arith.constant 80 : index
    %swap3A_93 = tpu.vector_load %arg5[%swap3A_92] {strides = array<i32>} : memref<256xf32, #tpu.memory_space<vmem>>, vector<16xf32>,
    %swap3A_94 = vector.shape_cast %swap3A_93 : vector<16xf32> to vector<16xf32>
    %swap3A_95 = vector.shape_cast %scan3A_90 : vector<16xf32> to vector<16xf32>
    tpu.vector_store %arg5[%swap3A_92], %swap3A_95 {strides = array<i32>} : memref<256xf32, #tpu.memory_space<vmem>>, vector<16xf32>,
    %get3A_96 = arith.constant 0 : i32
    %get3A_97 = arith.index_cast %get3A_96 : i32 to index
    %get3A_98 = arith.constant 96 : index
    %get3A_99 = tpu.vector_load %arg4[%get3A_97, %get3A_98] {strides = array<i32>} : memref<128x256xf32, #tpu.memory_space<vmem>>, vector<1x16xf32>,
    %get3A_100 = vector.shape_cast %get3A_99 : vector<1x16xf32> to vector<16xf32>
    %mul3A_101 = arith.mulf %get3A_100, %get3A_100 : vector<16xf32>
    %scan3A_102 = arith.constant 1 : i32
    %scan3A_103 = arith.constant 127 : i32
    %scan3A_104 = arith.addi %scan3A_102, %scan3A_103 : i32
    %scan3A_105 = arith.constant 1 : i32
    %scan3A_106 = scf.for %scan3A_256 = %scan3A_102 to %scan3A_104 step %scan3A_105 iter_args(%scan3A_257 = %mul3A_101) -> (vector<16xf32>)  : i32 {
      %get3A_258 = arith.index_cast %scan3A_256 : i32 to index
      %get3A_259 = arith.constant 96 : index
      %get3A_260 = tpu.vector_load %arg4[%get3A_258, %get3A_259] {strides = array<i32>} : memref<128x256xf32, #tpu.memory_space<vmem>>, vector<1x16xf32>,
      %get3A_261 = vector.shape_cast %get3A_260 : vector<1x16xf32> to vector<16xf32>
      %mul3A_262 = arith.mulf %get3A_261, %get3A_261 : vector<16xf32>
      %add3A_263 = arith.addf %scan3A_257, %mul3A_262 : vector<16xf32>
      scf.yield %add3A_263 : vector<16xf32>
    }
    %scan3A_107 = arith.constant 127 : i32
    %swap3A_108 = arith.constant 96 : index
    %swap3A_109 = tpu.vector_load %arg5[%swap3A_108] {strides = array<i32>} : memref<256xf32, #tpu.memory_space<vmem>>, vector<16xf32>,
    %swap3A_110 = vector.shape_cast %swap3A_109 : vector<16xf32> to vector<16xf32>
    %swap3A_111 = vector.shape_cast %scan3A_106 : vector<16xf32> to vector<16xf32>
    tpu.vector_store %arg5[%swap3A_108], %swap3A_111 {strides = array<i32>} : memref<256xf32, #tpu.memory_space<vmem>>, vector<16xf32>,
    %get3A_112 = arith.constant 0 : i32
    %get3A_113 = arith.index_cast %get3A_112 : i32 to index
    %get3A_114 = arith.constant 112 : index
    %get3A_115 = tpu.vector_load %arg4[%get3A_113, %get3A_114] {strides = array<i32>} : memref<128x256xf32, #tpu.memory_space<vmem>>, vector<1x16xf32>,
    %get3A_116 = vector.shape_cast %get3A_115 : vector<1x16xf32> to vector<16xf32>
    %mul3A_117 = arith.mulf %get3A_116, %get3A_116 : vector<16xf32>
    %scan3A_118 = arith.constant 1 : i32
    %scan3A_119 = arith.constant 127 : i32
    %scan3A_120 = arith.addi %scan3A_118, %scan3A_119 : i32
    %scan3A_121 = arith.constant 1 : i32
    %scan3A_122 = scf.for %scan3A_256 = %scan3A_118 to %scan3A_120 step %scan3A_121 iter_args(%scan3A_257 = %mul3A_117) -> (vector<16xf32>)  : i32 {
      %get3A_258 = arith.index_cast %scan3A_256 : i32 to index
      %get3A_259 = arith.constant 112 : index
      %get3A_260 = tpu.vector_load %arg4[%get3A_258, %get3A_259] {strides = array<i32>} : memref<128x256xf32, #tpu.memory_space<vmem>>, vector<1x16xf32>,
      %get3A_261 = vector.shape_cast %get3A_260 : vector<1x16xf32> to vector<16xf32>
      %mul3A_262 = arith.mulf %get3A_261, %get3A_261 : vector<16xf32>
      %add3A_263 = arith.addf %scan3A_257, %mul3A_262 : vector<16xf32>
      scf.yield %add3A_263 : vector<16xf32>
    }
    %scan3A_123 = arith.constant 127 : i32
    %swap3A_124 = arith.constant 112 : index
    %swap3A_125 = tpu.vector_load %arg5[%swap3A_124] {strides = array<i32>} : memref<256xf32, #tpu.memory_space<vmem>>, vector<16xf32>,
    %swap3A_126 = vector.shape_cast %swap3A_125 : vector<16xf32> to vector<16xf32>
    %swap3A_127 = vector.shape_cast %scan3A_122 : vector<16xf32> to vector<16xf32>
    tpu.vector_store %arg5[%swap3A_124], %swap3A_127 {strides = array<i32>} : memref<256xf32, #tpu.memory_space<vmem>>, vector<16xf32>,
    %get3A_128 = arith.constant 0 : i32
    %get3A_129 = arith.index_cast %get3A_128 : i32 to index
    %get3A_130 = arith.constant 128 : index
    %get3A_131 = tpu.vector_load %arg4[%get3A_129, %get3A_130] {strides = array<i32>} : memref<128x256xf32, #tpu.memory_space<vmem>>, vector<1x16xf32>,
    %get3A_132 = vector.shape_cast %get3A_131 : vector<1x16xf32> to vector<16xf32>
    %mul3A_133 = arith.mulf %get3A_132, %get3A_132 : vector<16xf32>
    %scan3A_134 = arith.constant 1 : i32
    %scan3A_135 = arith.constant 127 : i32
    %scan3A_136 = arith.addi %scan3A_134, %scan3A_135 : i32
    %scan3A_137 = arith.constant 1 : i32
    %scan3A_138 = scf.for %scan3A_256 = %scan3A_134 to %scan3A_136 step %scan3A_137 iter_args(%scan3A_257 = %mul3A_133) -> (vector<16xf32>)  : i32 {
      %get3A_258 = arith.index_cast %scan3A_256 : i32 to index
      %get3A_259 = arith.constant 128 : index
      %get3A_260 = tpu.vector_load %arg4[%get3A_258, %get3A_259] {strides = array<i32>} : memref<128x256xf32, #tpu.memory_space<vmem>>, vector<1x16xf32>,
      %get3A_261 = vector.shape_cast %get3A_260 : vector<1x16xf32> to vector<16xf32>
      %mul3A_262 = arith.mulf %get3A_261, %get3A_261 : vector<16xf32>
      %add3A_263 = arith.addf %scan3A_257, %mul3A_262 : vector<16xf32>
      scf.yield %add3A_263 : vector<16xf32>
    }
    %scan3A_139 = arith.constant 127 : i32
    %swap3A_140 = arith.constant 128 : index
    %swap3A_141 = tpu.vector_load %arg5[%swap3A_140] {strides = array<i32>} : memref<256xf32, #tpu.memory_space<vmem>>, vector<16xf32>,
    %swap3A_142 = vector.shape_cast %swap3A_141 : vector<16xf32> to vector<16xf32>
    %swap3A_143 = vector.shape_cast %scan3A_138 : vector<16xf32> to vector<16xf32>
    tpu.vector_store %arg5[%swap3A_140], %swap3A_143 {strides = array<i32>} : memref<256xf32, #tpu.memory_space<vmem>>, vector<16xf32>,
    %get3A_144 = arith.constant 0 : i32
    %get3A_145 = arith.index_cast %get3A_144 : i32 to index
    %get3A_146 = arith.constant 144 : index
    %get3A_147 = tpu.vector_load %arg4[%get3A_145, %get3A_146] {strides = array<i32>} : memref<128x256xf32, #tpu.memory_space<vmem>>, vector<1x16xf32>,
    %get3A_148 = vector.shape_cast %get3A_147 : vector<1x16xf32> to vector<16xf32>
    %mul3A_149 = arith.mulf %get3A_148, %get3A_148 : vector<16xf32>
    %scan3A_150 = arith.constant 1 : i32
    %scan3A_151 = arith.constant 127 : i32
    %scan3A_152 = arith.addi %scan3A_150, %scan3A_151 : i32
    %scan3A_153 = arith.constant 1 : i32
    %scan3A_154 = scf.for %scan3A_256 = %scan3A_150 to %scan3A_152 step %scan3A_153 iter_args(%scan3A_257 = %mul3A_149) -> (vector<16xf32>)  : i32 {
      %get3A_258 = arith.index_cast %scan3A_256 : i32 to index
      %get3A_259 = arith.constant 144 : index
      %get3A_260 = tpu.vector_load %arg4[%get3A_258, %get3A_259] {strides = array<i32>} : memref<128x256xf32, #tpu.memory_space<vmem>>, vector<1x16xf32>,
      %get3A_261 = vector.shape_cast %get3A_260 : vector<1x16xf32> to vector<16xf32>
      %mul3A_262 = arith.mulf %get3A_261, %get3A_261 : vector<16xf32>
      %add3A_263 = arith.addf %scan3A_257, %mul3A_262 : vector<16xf32>
      scf.yield %add3A_263 : vector<16xf32>
    }
    %scan3A_155 = arith.constant 127 : i32
    %swap3A_156 = arith.constant 144 : index
    %swap3A_157 = tpu.vector_load %arg5[%swap3A_156] {strides = array<i32>} : memref<256xf32, #tpu.memory_space<vmem>>, vector<16xf32>,
    %swap3A_158 = vector.shape_cast %swap3A_157 : vector<16xf32> to vector<16xf32>
    %swap3A_159 = vector.shape_cast %scan3A_154 : vector<16xf32> to vector<16xf32>
    tpu.vector_store %arg5[%swap3A_156], %swap3A_159 {strides = array<i32>} : memref<256xf32, #tpu.memory_space<vmem>>, vector<16xf32>,
    %get3A_160 = arith.constant 0 : i32
    %get3A_161 = arith.index_cast %get3A_160 : i32 to index
    %get3A_162 = arith.constant 160 : index
    %get3A_163 = tpu.vector_load %arg4[%get3A_161, %get3A_162] {strides = array<i32>} : memref<128x256xf32, #tpu.memory_space<vmem>>, vector<1x16xf32>,
    %get3A_164 = vector.shape_cast %get3A_163 : vector<1x16xf32> to vector<16xf32>
    %mul3A_165 = arith.mulf %get3A_164, %get3A_164 : vector<16xf32>
    %scan3A_166 = arith.constant 1 : i32
    %scan3A_167 = arith.constant 127 : i32
    %scan3A_168 = arith.addi %scan3A_166, %scan3A_167 : i32
    %scan3A_169 = arith.constant 1 : i32
    %scan3A_170 = scf.for %scan3A_256 = %scan3A_166 to %scan3A_168 step %scan3A_169 iter_args(%scan3A_257 = %mul3A_165) -> (vector<16xf32>)  : i32 {
      %get3A_258 = arith.index_cast %scan3A_256 : i32 to index
      %get3A_259 = arith.constant 160 : index
      %get3A_260 = tpu.vector_load %arg4[%get3A_258, %get3A_259] {strides = array<i32>} : memref<128x256xf32, #tpu.memory_space<vmem>>, vector<1x16xf32>,
      %get3A_261 = vector.shape_cast %get3A_260 : vector<1x16xf32> to vector<16xf32>
      %mul3A_262 = arith.mulf %get3A_261, %get3A_261 : vector<16xf32>
      %add3A_263 = arith.addf %scan3A_257, %mul3A_262 : vector<16xf32>
      scf.yield %add3A_263 : vector<16xf32>
    }
    %scan3A_171 = arith.constant 127 : i32
    %swap3A_172 = arith.constant 160 : index
    %swap3A_173 = tpu.vector_load %arg5[%swap3A_172] {strides = array<i32>} : memref<256xf32, #tpu.memory_space<vmem>>, vector<16xf32>,
    %swap3A_174 = vector.shape_cast %swap3A_173 : vector<16xf32> to vector<16xf32>
    %swap3A_175 = vector.shape_cast %scan3A_170 : vector<16xf32> to vector<16xf32>
    tpu.vector_store %arg5[%swap3A_172], %swap3A_175 {strides = array<i32>} : memref<256xf32, #tpu.memory_space<vmem>>, vector<16xf32>,
    %get3A_176 = arith.constant 0 : i32
    %get3A_177 = arith.index_cast %get3A_176 : i32 to index
    %get3A_178 = arith.constant 176 : index
    %get3A_179 = tpu.vector_load %arg4[%get3A_177, %get3A_178] {strides = array<i32>} : memref<128x256xf32, #tpu.memory_space<vmem>>, vector<1x16xf32>,
    %get3A_180 = vector.shape_cast %get3A_179 : vector<1x16xf32> to vector<16xf32>
    %mul3A_181 = arith.mulf %get3A_180, %get3A_180 : vector<16xf32>
    %scan3A_182 = arith.constant 1 : i32
    %scan3A_183 = arith.constant 127 : i32
    %scan3A_184 = arith.addi %scan3A_182, %scan3A_183 : i32
    %scan3A_185 = arith.constant 1 : i32
    %scan3A_186 = scf.for %scan3A_256 = %scan3A_182 to %scan3A_184 step %scan3A_185 iter_args(%scan3A_257 = %mul3A_181) -> (vector<16xf32>)  : i32 {
      %get3A_258 = arith.index_cast %scan3A_256 : i32 to index
      %get3A_259 = arith.constant 176 : index
      %get3A_260 = tpu.vector_load %arg4[%get3A_258, %get3A_259] {strides = array<i32>} : memref<128x256xf32, #tpu.memory_space<vmem>>, vector<1x16xf32>,
      %get3A_261 = vector.shape_cast %get3A_260 : vector<1x16xf32> to vector<16xf32>
      %mul3A_262 = arith.mulf %get3A_261, %get3A_261 : vector<16xf32>
      %add3A_263 = arith.addf %scan3A_257, %mul3A_262 : vector<16xf32>
      scf.yield %add3A_263 : vector<16xf32>
    }
    %scan3A_187 = arith.constant 127 : i32
    %swap3A_188 = arith.constant 176 : index
    %swap3A_189 = tpu.vector_load %arg5[%swap3A_188] {strides = array<i32>} : memref<256xf32, #tpu.memory_space<vmem>>, vector<16xf32>,
    %swap3A_190 = vector.shape_cast %swap3A_189 : vector<16xf32> to vector<16xf32>
    %swap3A_191 = vector.shape_cast %scan3A_186 : vector<16xf32> to vector<16xf32>
    tpu.vector_store %arg5[%swap3A_188], %swap3A_191 {strides = array<i32>} : memref<256xf32, #tpu.memory_space<vmem>>, vector<16xf32>,
    %get3A_192 = arith.constant 0 : i32
    %get3A_193 = arith.index_cast %get3A_192 : i32 to index
    %get3A_194 = arith.constant 192 : index
    %get3A_195 = tpu.vector_load %arg4[%get3A_193, %get3A_194] {strides = array<i32>} : memref<128x256xf32, #tpu.memory_space<vmem>>, vector<1x16xf32>,
    %get3A_196 = vector.shape_cast %get3A_195 : vector<1x16xf32> to vector<16xf32>
    %mul3A_197 = arith.mulf %get3A_196, %get3A_196 : vector<16xf32>
    %scan3A_198 = arith.constant 1 : i32
    %scan3A_199 = arith.constant 127 : i32
    %scan3A_200 = arith.addi %scan3A_198, %scan3A_199 : i32
    %scan3A_201 = arith.constant 1 : i32
    %scan3A_202 = scf.for %scan3A_256 = %scan3A_198 to %scan3A_200 step %scan3A_201 iter_args(%scan3A_257 = %mul3A_197) -> (vector<16xf32>)  : i32 {
      %get3A_258 = arith.index_cast %scan3A_256 : i32 to index
      %get3A_259 = arith.constant 192 : index
      %get3A_260 = tpu.vector_load %arg4[%get3A_258, %get3A_259] {strides = array<i32>} : memref<128x256xf32, #tpu.memory_space<vmem>>, vector<1x16xf32>,
      %get3A_261 = vector.shape_cast %get3A_260 : vector<1x16xf32> to vector<16xf32>
      %mul3A_262 = arith.mulf %get3A_261, %get3A_261 : vector<16xf32>
      %add3A_263 = arith.addf %scan3A_257, %mul3A_262 : vector<16xf32>
      scf.yield %add3A_263 : vector<16xf32>
    }
    %scan3A_203 = arith.constant 127 : i32
    %swap3A_204 = arith.constant 192 : index
    %swap3A_205 = tpu.vector_load %arg5[%swap3A_204] {strides = array<i32>} : memref<256xf32, #tpu.memory_space<vmem>>, vector<16xf32>,
    %swap3A_206 = vector.shape_cast %swap3A_205 : vector<16xf32> to vector<16xf32>
    %swap3A_207 = vector.shape_cast %scan3A_202 : vector<16xf32> to vector<16xf32>
    tpu.vector_store %arg5[%swap3A_204], %swap3A_207 {strides = array<i32>} : memref<256xf32, #tpu.memory_space<vmem>>, vector<16xf32>,
    %get3A_208 = arith.constant 0 : i32
    %get3A_209 = arith.index_cast %get3A_208 : i32 to index
    %get3A_210 = arith.constant 208 : index
    %get3A_211 = tpu.vector_load %arg4[%get3A_209, %get3A_210] {strides = array<i32>} : memref<128x256xf32, #tpu.memory_space<vmem>>, vector<1x16xf32>,
    %get3A_212 = vector.shape_cast %get3A_211 : vector<1x16xf32> to vector<16xf32>
    %mul3A_213 = arith.mulf %get3A_212, %get3A_212 : vector<16xf32>
    %scan3A_214 = arith.constant 1 : i32
    %scan3A_215 = arith.constant 127 : i32
    %scan3A_216 = arith.addi %scan3A_214, %scan3A_215 : i32
    %scan3A_217 = arith.constant 1 : i32
    %scan3A_218 = scf.for %scan3A_256 = %scan3A_214 to %scan3A_216 step %scan3A_217 iter_args(%scan3A_257 = %mul3A_213) -> (vector<16xf32>)  : i32 {
      %get3A_258 = arith.index_cast %scan3A_256 : i32 to index
      %get3A_259 = arith.constant 208 : index
      %get3A_260 = tpu.vector_load %arg4[%get3A_258, %get3A_259] {strides = array<i32>} : memref<128x256xf32, #tpu.memory_space<vmem>>, vector<1x16xf32>,
      %get3A_261 = vector.shape_cast %get3A_260 : vector<1x16xf32> to vector<16xf32>
      %mul3A_262 = arith.mulf %get3A_261, %get3A_261 : vector<16xf32>
      %add3A_263 = arith.addf %scan3A_257, %mul3A_262 : vector<16xf32>
      scf.yield %add3A_263 : vector<16xf32>
    }
    %scan3A_219 = arith.constant 127 : i32
    %swap3A_220 = arith.constant 208 : index
    %swap3A_221 = tpu.vector_load %arg5[%swap3A_220] {strides = array<i32>} : memref<256xf32, #tpu.memory_space<vmem>>, vector<16xf32>,
    %swap3A_222 = vector.shape_cast %swap3A_221 : vector<16xf32> to vector<16xf32>
    %swap3A_223 = vector.shape_cast %scan3A_218 : vector<16xf32> to vector<16xf32>
    tpu.vector_store %arg5[%swap3A_220], %swap3A_223 {strides = array<i32>} : memref<256xf32, #tpu.memory_space<vmem>>, vector<16xf32>,
    %get3A_224 = arith.constant 0 : i32
    %get3A_225 = arith.index_cast %get3A_224 : i32 to index
    %get3A_226 = arith.constant 224 : index
    %get3A_227 = tpu.vector_load %arg4[%get3A_225, %get3A_226] {strides = array<i32>} : memref<128x256xf32, #tpu.memory_space<vmem>>, vector<1x16xf32>,
    %get3A_228 = vector.shape_cast %get3A_227 : vector<1x16xf32> to vector<16xf32>
    %mul3A_229 = arith.mulf %get3A_228, %get3A_228 : vector<16xf32>
    %scan3A_230 = arith.constant 1 : i32
    %scan3A_231 = arith.constant 127 : i32
    %scan3A_232 = arith.addi %scan3A_230, %scan3A_231 : i32
    %scan3A_233 = arith.constant 1 : i32
    %scan3A_234 = scf.for %scan3A_256 = %scan3A_230 to %scan3A_232 step %scan3A_233 iter_args(%scan3A_257 = %mul3A_229) -> (vector<16xf32>)  : i32 {
      %get3A_258 = arith.index_cast %scan3A_256 : i32 to index
      %get3A_259 = arith.constant 224 : index
      %get3A_260 = tpu.vector_load %arg4[%get3A_258, %get3A_259] {strides = array<i32>} : memref<128x256xf32, #tpu.memory_space<vmem>>, vector<1x16xf32>,
      %get3A_261 = vector.shape_cast %get3A_260 : vector<1x16xf32> to vector<16xf32>
      %mul3A_262 = arith.mulf %get3A_261, %get3A_261 : vector<16xf32>
      %add3A_263 = arith.addf %scan3A_257, %mul3A_262 : vector<16xf32>
      scf.yield %add3A_263 : vector<16xf32>
    }
    %scan3A_235 = arith.constant 127 : i32
    %swap3A_236 = arith.constant 224 : index
    %swap3A_237 = tpu.vector_load %arg5[%swap3A_236] {strides = array<i32>} : memref<256xf32, #tpu.memory_space<vmem>>, vector<16xf32>,
    %swap3A_238 = vector.shape_cast %swap3A_237 : vector<16xf32> to vector<16xf32>
    %swap3A_239 = vector.shape_cast %scan3A_234 : vector<16xf32> to vector<16xf32>
    tpu.vector_store %arg5[%swap3A_236], %swap3A_239 {strides = array<i32>} : memref<256xf32, #tpu.memory_space<vmem>>, vector<16xf32>,
    %get3A_240 = arith.constant 0 : i32
    %get3A_241 = arith.index_cast %get3A_240 : i32 to index
    %get3A_242 = arith.constant 240 : index
    %get3A_243 = tpu.vector_load %arg4[%get3A_241, %get3A_242] {strides = array<i32>} : memref<128x256xf32, #tpu.memory_space<vmem>>, vector<1x16xf32>,
    %get3A_244 = vector.shape_cast %get3A_243 : vector<1x16xf32> to vector<16xf32>
    %mul3A_245 = arith.mulf %get3A_244, %get3A_244 : vector<16xf32>
    %scan3A_246 = arith.constant 1 : i32
    %scan3A_247 = arith.constant 127 : i32
    %scan3A_248 = arith.addi %scan3A_246, %scan3A_247 : i32
    %scan3A_249 = arith.constant 1 : i32
    %scan3A_250 = scf.for %scan3A_256 = %scan3A_246 to %scan3A_248 step %scan3A_249 iter_args(%scan3A_257 = %mul3A_245) -> (vector<16xf32>)  : i32 {
      %get3A_258 = arith.index_cast %scan3A_256 : i32 to index
      %get3A_259 = arith.constant 240 : index
      %get3A_260 = tpu.vector_load %arg4[%get3A_258, %get3A_259] {strides = array<i32>} : memref<128x256xf32, #tpu.memory_space<vmem>>, vector<1x16xf32>,
      %get3A_261 = vector.shape_cast %get3A_260 : vector<1x16xf32> to vector<16xf32>
      %mul3A_262 = arith.mulf %get3A_261, %get3A_261 : vector<16xf32>
      %add3A_263 = arith.addf %scan3A_257, %mul3A_262 : vector<16xf32>
      scf.yield %add3A_263 : vector<16xf32>
    }
    %scan3A_251 = arith.constant 127 : i32
    %swap3A_252 = arith.constant 240 : index
    %swap3A_253 = tpu.vector_load %arg5[%swap3A_252] {strides = array<i32>} : memref<256xf32, #tpu.memory_space<vmem>>, vector<16xf32>,
    %swap3A_254 = vector.shape_cast %swap3A_253 : vector<16xf32> to vector<16xf32>
    %swap3A_255 = vector.shape_cast %scan3A_250 : vector<16xf32> to vector<16xf32>
    tpu.vector_store %arg5[%swap3A_252], %swap3A_255 {strides = array<i32>} : memref<256xf32, #tpu.memory_space<vmem>>, vector<16xf32>,
    "tpu.region"() ({
      %run_scoped3A = tpu.sem_alloc : memref<!tpu.dma_semaphore, #tpu.memory_space<semaphore_mem>>
      %dma_start3A = tpu.memref_slice %arg3[%mul3A_2] : memref<8192xf32, #tpu.memory_space<hbm>> -> memref<256xf32, #tpu.memory_space<hbm>>
      %dma_start3A_256 = tpu.memref_slice %arg3[%mul3A_2] : memref<8192xf32, #tpu.memory_space<hbm>> -> memref<256xf32, #tpu.memory_space<hbm>>
      tpu.enqueue_dma source(%arg5 : memref<256xf32, #tpu.memory_space<vmem>>) target(%dma_start3A_256 : memref<256xf32, #tpu.memory_space<hbm>>) target_semaphore(%run_scoped3A : memref<!tpu.dma_semaphore, #tpu.memory_space<semaphore_mem>>)
      %dma_wait3A = tpu.memref_slice %arg3[%mul3A_2] : memref<8192xf32, #tpu.memory_space<hbm>> -> memref<256xf32, #tpu.memory_space<hbm>>
      %dma_wait3A_257 = tpu.memref_slice %arg3[%mul3A_2] : memref<8192xf32, #tpu.memory_space<hbm>> -> memref<256xf32, #tpu.memory_space<hbm>>
      tpu.wait_dma2 semaphore(%run_scoped3A : memref<!tpu.dma_semaphore, #tpu.memory_space<semaphore_mem>>) src(%arg5 : memref<256xf32, #tpu.memory_space<vmem>>) dst(%dma_wait3A_257 : memref<256xf32, #tpu.memory_space<hbm>>)
      tpu.yield
    }) : () -> ()
    return
  }
}

module attributes {stable_mosaic.version = 14 : i64} {
  func.func @_body(%arg0: i32, %arg1: memref<8x4x4096xf32, #tpu.memory_space<vmem>>, %arg2: memref<64x8xf32, #tpu.memory_space<vmem>>, %arg3: memref<64x1xf32, #tpu.memory_space<vmem>>, %arg4: memref<128x64xf32, #tpu.memory_space<vmem>>, %arg5: memref<512x64xf32, #tpu.memory_space<vmem>>, %arg6: memref<128x1xf32, #tpu.memory_space<vmem>>, %arg7: memref<256x128xf32, #tpu.memory_space<vmem>>, %arg8: memref<256x512xf32, #tpu.memory_space<vmem>>, %arg9: memref<256x1xf32, #tpu.memory_space<vmem>>, %arg10: memref<128x256xf32, #tpu.memory_space<vmem>>, %arg11: memref<128x1xf32, #tpu.memory_space<vmem>>, %arg12: memref<8192x128xf32, #tpu.memory_space<vmem>>, %arg13: memref<8192x1xf32, #tpu.memory_space<vmem>>, %arg14: memref<64x128xf32, #tpu.memory_space<vmem>>, %arg15: memref<64x128xf32, #tpu.memory_space<vmem>>, %arg16: memref<1x1xf32, #tpu.memory_space<vmem>>, %arg17: memref<64x1xi32, #tpu.memory_space<vmem>>, %arg18: memref<64x128xf32, #tpu.memory_space<vmem>>) attributes {dimension_semantics = [#tpu.dimension_semantics<arbitrary>], iteration_bounds = array<i64: 9>, scalar_prefetch = 0 : i64, scratch_operands = 1 : i64, tpu.core_type = #tpu.core_type<tc>, window_params = [{transform_indices = @transform_0, window_bounds = array<i64: 8, 4, 4096>}, {pipeline_mode = #tpu.pipeline_mode<synchronous>, transform_indices = @transform_1, window_bounds = array<i64: 64, 8>}, {pipeline_mode = #tpu.pipeline_mode<synchronous>, transform_indices = @transform_2, window_bounds = array<i64: 64, 1>}, {pipeline_mode = #tpu.pipeline_mode<synchronous>, transform_indices = @transform_3, window_bounds = array<i64: 128, 64>}, {pipeline_mode = #tpu.pipeline_mode<synchronous>, transform_indices = @transform_4, window_bounds = array<i64: 512, 64>}, {pipeline_mode = #tpu.pipeline_mode<synchronous>, transform_indices = @transform_5, window_bounds = array<i64: 128, 1>}, {pipeline_mode = #tpu.pipeline_mode<synchronous>, transform_indices = @transform_6, window_bounds = array<i64: 256, 128>}, {pipeline_mode = #tpu.pipeline_mode<synchronous>, transform_indices = @transform_7, window_bounds = array<i64: 256, 512>}, {pipeline_mode = #tpu.pipeline_mode<synchronous>, transform_indices = @transform_8, window_bounds = array<i64: 256, 1>}, {pipeline_mode = #tpu.pipeline_mode<synchronous>, transform_indices = @transform_9, window_bounds = array<i64: 128, 256>}, {pipeline_mode = #tpu.pipeline_mode<synchronous>, transform_indices = @transform_10, window_bounds = array<i64: 128, 1>}, {pipeline_mode = #tpu.pipeline_mode<synchronous>, transform_indices = @transform_11, window_bounds = array<i64: 8192, 128>}, {pipeline_mode = #tpu.pipeline_mode<synchronous>, transform_indices = @transform_12, window_bounds = array<i64: 8192, 1>}, {pipeline_mode = #tpu.pipeline_mode<synchronous>, transform_indices = @transform_13, window_bounds = array<i64: 64, 128>}, {pipeline_mode = #tpu.pipeline_mode<synchronous>, transform_indices = @transform_14, window_bounds = array<i64: 64, 128>}, {pipeline_mode = #tpu.pipeline_mode<synchronous>, transform_indices = @transform_15, window_bounds = array<i64: 1, 1>}, {pipeline_mode = #tpu.pipeline_mode<synchronous>, transform_indices = @transform_16, window_bounds = array<i64: 64, 1>}]} {
    %lt3A = arith.constant 8 : i32
    %lt3A_0 = arith.cmpi slt, %arg0, %lt3A : i32
    %convert_element_type3A = arith.extui %lt3A_0 : i1 to i32
    %cond3A = arith.constant 0 : i32
    %cond3A_1 = arith.cmpi ne, %convert_element_type3A, %cond3A : i32
    scf.if %cond3A_1 {
      %broadcast_in_dim3A = arith.constant 0.000000e+00 : f32
      %broadcast_in_dim3A_6 = vector.broadcast %broadcast_in_dim3A : f32 to vector<4x4096xf32>
      %get3A = arith.constant 0 : index
      %get3A_7 = arith.constant 0 : index
      %get3A_8 = arith.constant 0 : index
      %get3A_9 = vector.load %arg1[%get3A, %get3A_7, %get3A_8] : memref<8x4x4096xf32, #tpu.memory_space<vmem>>, vector<1x4x4096xf32>
      %get3A_10 = vector.shape_cast %get3A_9 : vector<1x4x4096xf32> to vector<4x4096xf32>
      %concatenate3A = tpu.concatenate %get3A_10, %broadcast_in_dim3A_6 in 0 : vector<4x4096xf32>, vector<4x4096xf32> -> vector<8x4096xf32>
      %get3A_11 = arith.constant 0 : index
      %get3A_12 = arith.constant 0 : index
      %get3A_13 = vector.load %arg2[%get3A_11, %get3A_12] : memref<64x8xf32, #tpu.memory_space<vmem>>, vector<64x8xf32>
      %dot_general3A = arith.constant dense<0.000000e+00> : vector<64x4096xf32>
      %dot_general3A_14 = tpu.matmul %get3A_13, %concatenate3A, %dot_general3A {dimension_numbers = #tpu.dot_dimension_numbers<[1], [0], [0], [1], [0, 0, 1, 1], [], []>, transpose_lhs_hint = false} : vector<64x8xf32>, vector<8x4096xf32>, vector<64x4096xf32> -> vector<64x4096xf32>
      %get3A_15 = arith.constant 0 : index
      %get3A_16 = arith.constant 0 : index
      %get3A_17 = vector.load %arg3[%get3A_15, %get3A_16] : memref<64x1xf32, #tpu.memory_space<vmem>>, vector<64x1xf32>
      %add3A = vector.broadcast %get3A_17 : vector<64x1xf32> to vector<64x4096xf32>
      %add3A_18 = arith.addf %dot_general3A_14, %add3A : vector<64x4096xf32>
      %max3A = arith.constant 0.000000e+00 : f32
      %max3A_19 = vector.broadcast %max3A : f32 to vector<64x4096xf32>
      %max3A_20 = arith.maximumf %add3A_18, %max3A_19 : vector<64x4096xf32>
      %get3A_21 = arith.constant 0 : index
      %get3A_22 = arith.constant 0 : index
      %get3A_23 = vector.load %arg4[%get3A_21, %get3A_22] : memref<128x64xf32, #tpu.memory_space<vmem>>, vector<128x64xf32>
      %dot_general3A_24 = arith.constant dense<0.000000e+00> : vector<128x4096xf32>
      %dot_general3A_25 = tpu.matmul %get3A_23, %max3A_20, %dot_general3A_24 {dimension_numbers = #tpu.dot_dimension_numbers<[1], [0], [0], [1], [0, 0, 1, 1], [], []>, transpose_lhs_hint = false} : vector<128x64xf32>, vector<64x4096xf32>, vector<128x4096xf32> -> vector<128x4096xf32>
      %reduce_max3A = arith.constant dense<0xFF800000> : vector<128xf32>
      %reduce_max3A_26 = vector.multi_reduction <maximumf>, %dot_general3A_25, %reduce_max3A [1] : vector<128x4096xf32> to vector<128xf32>
      %broadcast_in_dim3A_27 = vector.shape_cast %reduce_max3A_26 : vector<128xf32> to vector<1x128xf32>
      %mul3A = arith.constant 8 : i32
      %mul3A_28 = arith.muli %arg0, %mul3A : i32
      %add3A_29 = arith.constant 0 : i32
      %add3A_30 = arith.addi %mul3A_28, %add3A_29 : i32
      %swap3A = arith.index_cast %add3A_30 : i32 to index
      %swap3A_31 = arith.constant 0 : index
      %swap3A_32 = vector.load %arg18[%swap3A, %swap3A_31] : memref<64x128xf32, #tpu.memory_space<vmem>>, vector<1x128xf32>
      tpu.vector_store %arg18[%swap3A, %swap3A_31], %broadcast_in_dim3A_27 {strides = array<i32>} : memref<64x128xf32, #tpu.memory_space<vmem>>, vector<1x128xf32>,
      %get3A_33 = arith.constant 1 : index
      %get3A_34 = arith.constant 0 : index
      %get3A_35 = arith.constant 0 : index
      %get3A_36 = vector.load %arg1[%get3A_33, %get3A_34, %get3A_35] : memref<8x4x4096xf32, #tpu.memory_space<vmem>>, vector<1x4x4096xf32>
      %get3A_37 = vector.shape_cast %get3A_36 : vector<1x4x4096xf32> to vector<4x4096xf32>
      %concatenate3A_38 = tpu.concatenate %get3A_37, %broadcast_in_dim3A_6 in 0 : vector<4x4096xf32>, vector<4x4096xf32> -> vector<8x4096xf32>
      %get3A_39 = arith.constant 0 : index
      %get3A_40 = arith.constant 0 : index
      %get3A_41 = vector.load %arg2[%get3A_39, %get3A_40] : memref<64x8xf32, #tpu.memory_space<vmem>>, vector<64x8xf32>
      %dot_general3A_42 = arith.constant dense<0.000000e+00> : vector<64x4096xf32>
      %dot_general3A_43 = tpu.matmul %get3A_41, %concatenate3A_38, %dot_general3A_42 {dimension_numbers = #tpu.dot_dimension_numbers<[1], [0], [0], [1], [0, 0, 1, 1], [], []>, transpose_lhs_hint = false} : vector<64x8xf32>, vector<8x4096xf32>, vector<64x4096xf32> -> vector<64x4096xf32>
      %get3A_44 = arith.constant 0 : index
      %get3A_45 = arith.constant 0 : index
      %get3A_46 = vector.load %arg3[%get3A_44, %get3A_45] : memref<64x1xf32, #tpu.memory_space<vmem>>, vector<64x1xf32>
      %add3A_47 = vector.broadcast %get3A_46 : vector<64x1xf32> to vector<64x4096xf32>
      %add3A_48 = arith.addf %dot_general3A_43, %add3A_47 : vector<64x4096xf32>
      %max3A_49 = arith.constant 0.000000e+00 : f32
      %max3A_50 = vector.broadcast %max3A_49 : f32 to vector<64x4096xf32>
      %max3A_51 = arith.maximumf %add3A_48, %max3A_50 : vector<64x4096xf32>
      %get3A_52 = arith.constant 0 : index
      %get3A_53 = arith.constant 0 : index
      %get3A_54 = vector.load %arg4[%get3A_52, %get3A_53] : memref<128x64xf32, #tpu.memory_space<vmem>>, vector<128x64xf32>
      %dot_general3A_55 = arith.constant dense<0.000000e+00> : vector<128x4096xf32>
      %dot_general3A_56 = tpu.matmul %get3A_54, %max3A_51, %dot_general3A_55 {dimension_numbers = #tpu.dot_dimension_numbers<[1], [0], [0], [1], [0, 0, 1, 1], [], []>, transpose_lhs_hint = false} : vector<128x64xf32>, vector<64x4096xf32>, vector<128x4096xf32> -> vector<128x4096xf32>
      %reduce_max3A_57 = arith.constant dense<0xFF800000> : vector<128xf32>
      %reduce_max3A_58 = vector.multi_reduction <maximumf>, %dot_general3A_56, %reduce_max3A_57 [1] : vector<128x4096xf32> to vector<128xf32>
      %broadcast_in_dim3A_59 = vector.shape_cast %reduce_max3A_58 : vector<128xf32> to vector<1x128xf32>
      %mul3A_60 = arith.constant 8 : i32
      %mul3A_61 = arith.muli %arg0, %mul3A_60 : i32
      %add3A_62 = arith.constant 1 : i32
      %add3A_63 = arith.addi %mul3A_61, %add3A_62 : i32
      %swap3A_64 = arith.index_cast %add3A_63 : i32 to index
      %swap3A_65 = arith.constant 0 : index
      %swap3A_66 = vector.load %arg18[%swap3A_64, %swap3A_65] : memref<64x128xf32, #tpu.memory_space<vmem>>, vector<1x128xf32>
      tpu.vector_store %arg18[%swap3A_64, %swap3A_65], %broadcast_in_dim3A_59 {strides = array<i32>} : memref<64x128xf32, #tpu.memory_space<vmem>>, vector<1x128xf32>,
      %get3A_67 = arith.constant 2 : index
      %get3A_68 = arith.constant 0 : index
      %get3A_69 = arith.constant 0 : index
      %get3A_70 = vector.load %arg1[%get3A_67, %get3A_68, %get3A_69] : memref<8x4x4096xf32, #tpu.memory_space<vmem>>, vector<1x4x4096xf32>
      %get3A_71 = vector.shape_cast %get3A_70 : vector<1x4x4096xf32> to vector<4x4096xf32>
      %concatenate3A_72 = tpu.concatenate %get3A_71, %broadcast_in_dim3A_6 in 0 : vector<4x4096xf32>, vector<4x4096xf32> -> vector<8x4096xf32>
      %get3A_73 = arith.constant 0 : index
      %get3A_74 = arith.constant 0 : index
      %get3A_75 = vector.load %arg2[%get3A_73, %get3A_74] : memref<64x8xf32, #tpu.memory_space<vmem>>, vector<64x8xf32>
      %dot_general3A_76 = arith.constant dense<0.000000e+00> : vector<64x4096xf32>
      %dot_general3A_77 = tpu.matmul %get3A_75, %concatenate3A_72, %dot_general3A_76 {dimension_numbers = #tpu.dot_dimension_numbers<[1], [0], [0], [1], [0, 0, 1, 1], [], []>, transpose_lhs_hint = false} : vector<64x8xf32>, vector<8x4096xf32>, vector<64x4096xf32> -> vector<64x4096xf32>
      %get3A_78 = arith.constant 0 : index
      %get3A_79 = arith.constant 0 : index
      %get3A_80 = vector.load %arg3[%get3A_78, %get3A_79] : memref<64x1xf32, #tpu.memory_space<vmem>>, vector<64x1xf32>
      %add3A_81 = vector.broadcast %get3A_80 : vector<64x1xf32> to vector<64x4096xf32>
      %add3A_82 = arith.addf %dot_general3A_77, %add3A_81 : vector<64x4096xf32>
      %max3A_83 = arith.constant 0.000000e+00 : f32
      %max3A_84 = vector.broadcast %max3A_83 : f32 to vector<64x4096xf32>
      %max3A_85 = arith.maximumf %add3A_82, %max3A_84 : vector<64x4096xf32>
      %get3A_86 = arith.constant 0 : index
      %get3A_87 = arith.constant 0 : index
      %get3A_88 = vector.load %arg4[%get3A_86, %get3A_87] : memref<128x64xf32, #tpu.memory_space<vmem>>, vector<128x64xf32>
      %dot_general3A_89 = arith.constant dense<0.000000e+00> : vector<128x4096xf32>
      %dot_general3A_90 = tpu.matmul %get3A_88, %max3A_85, %dot_general3A_89 {dimension_numbers = #tpu.dot_dimension_numbers<[1], [0], [0], [1], [0, 0, 1, 1], [], []>, transpose_lhs_hint = false} : vector<128x64xf32>, vector<64x4096xf32>, vector<128x4096xf32> -> vector<128x4096xf32>
      %reduce_max3A_91 = arith.constant dense<0xFF800000> : vector<128xf32>
      %reduce_max3A_92 = vector.multi_reduction <maximumf>, %dot_general3A_90, %reduce_max3A_91 [1] : vector<128x4096xf32> to vector<128xf32>
      %broadcast_in_dim3A_93 = vector.shape_cast %reduce_max3A_92 : vector<128xf32> to vector<1x128xf32>
      %mul3A_94 = arith.constant 8 : i32
      %mul3A_95 = arith.muli %arg0, %mul3A_94 : i32
      %add3A_96 = arith.constant 2 : i32
      %add3A_97 = arith.addi %mul3A_95, %add3A_96 : i32
      %swap3A_98 = arith.index_cast %add3A_97 : i32 to index
      %swap3A_99 = arith.constant 0 : index
      %swap3A_100 = vector.load %arg18[%swap3A_98, %swap3A_99] : memref<64x128xf32, #tpu.memory_space<vmem>>, vector<1x128xf32>
      tpu.vector_store %arg18[%swap3A_98, %swap3A_99], %broadcast_in_dim3A_93 {strides = array<i32>} : memref<64x128xf32, #tpu.memory_space<vmem>>, vector<1x128xf32>,
      %get3A_101 = arith.constant 3 : index
      %get3A_102 = arith.constant 0 : index
      %get3A_103 = arith.constant 0 : index
      %get3A_104 = vector.load %arg1[%get3A_101, %get3A_102, %get3A_103] : memref<8x4x4096xf32, #tpu.memory_space<vmem>>, vector<1x4x4096xf32>
      %get3A_105 = vector.shape_cast %get3A_104 : vector<1x4x4096xf32> to vector<4x4096xf32>
      %concatenate3A_106 = tpu.concatenate %get3A_105, %broadcast_in_dim3A_6 in 0 : vector<4x4096xf32>, vector<4x4096xf32> -> vector<8x4096xf32>
      %get3A_107 = arith.constant 0 : index
      %get3A_108 = arith.constant 0 : index
      %get3A_109 = vector.load %arg2[%get3A_107, %get3A_108] : memref<64x8xf32, #tpu.memory_space<vmem>>, vector<64x8xf32>
      %dot_general3A_110 = arith.constant dense<0.000000e+00> : vector<64x4096xf32>
      %dot_general3A_111 = tpu.matmul %get3A_109, %concatenate3A_106, %dot_general3A_110 {dimension_numbers = #tpu.dot_dimension_numbers<[1], [0], [0], [1], [0, 0, 1, 1], [], []>, transpose_lhs_hint = false} : vector<64x8xf32>, vector<8x4096xf32>, vector<64x4096xf32> -> vector<64x4096xf32>
      %get3A_112 = arith.constant 0 : index
      %get3A_113 = arith.constant 0 : index
      %get3A_114 = vector.load %arg3[%get3A_112, %get3A_113] : memref<64x1xf32, #tpu.memory_space<vmem>>, vector<64x1xf32>
      %add3A_115 = vector.broadcast %get3A_114 : vector<64x1xf32> to vector<64x4096xf32>
      %add3A_116 = arith.addf %dot_general3A_111, %add3A_115 : vector<64x4096xf32>
      %max3A_117 = arith.constant 0.000000e+00 : f32
      %max3A_118 = vector.broadcast %max3A_117 : f32 to vector<64x4096xf32>
      %max3A_119 = arith.maximumf %add3A_116, %max3A_118 : vector<64x4096xf32>
      %get3A_120 = arith.constant 0 : index
      %get3A_121 = arith.constant 0 : index
      %get3A_122 = vector.load %arg4[%get3A_120, %get3A_121] : memref<128x64xf32, #tpu.memory_space<vmem>>, vector<128x64xf32>
      %dot_general3A_123 = arith.constant dense<0.000000e+00> : vector<128x4096xf32>
      %dot_general3A_124 = tpu.matmul %get3A_122, %max3A_119, %dot_general3A_123 {dimension_numbers = #tpu.dot_dimension_numbers<[1], [0], [0], [1], [0, 0, 1, 1], [], []>, transpose_lhs_hint = false} : vector<128x64xf32>, vector<64x4096xf32>, vector<128x4096xf32> -> vector<128x4096xf32>
      %reduce_max3A_125 = arith.constant dense<0xFF800000> : vector<128xf32>
      %reduce_max3A_126 = vector.multi_reduction <maximumf>, %dot_general3A_124, %reduce_max3A_125 [1] : vector<128x4096xf32> to vector<128xf32>
      %broadcast_in_dim3A_127 = vector.shape_cast %reduce_max3A_126 : vector<128xf32> to vector<1x128xf32>
      %mul3A_128 = arith.constant 8 : i32
      %mul3A_129 = arith.muli %arg0, %mul3A_128 : i32
      %add3A_130 = arith.constant 3 : i32
      %add3A_131 = arith.addi %mul3A_129, %add3A_130 : i32
      %swap3A_132 = arith.index_cast %add3A_131 : i32 to index
      %swap3A_133 = arith.constant 0 : index
      %swap3A_134 = vector.load %arg18[%swap3A_132, %swap3A_133] : memref<64x128xf32, #tpu.memory_space<vmem>>, vector<1x128xf32>
      tpu.vector_store %arg18[%swap3A_132, %swap3A_133], %broadcast_in_dim3A_127 {strides = array<i32>} : memref<64x128xf32, #tpu.memory_space<vmem>>, vector<1x128xf32>,
      %get3A_135 = arith.constant 4 : index
      %get3A_136 = arith.constant 0 : index
      %get3A_137 = arith.constant 0 : index
      %get3A_138 = vector.load %arg1[%get3A_135, %get3A_136, %get3A_137] : memref<8x4x4096xf32, #tpu.memory_space<vmem>>, vector<1x4x4096xf32>
      %get3A_139 = vector.shape_cast %get3A_138 : vector<1x4x4096xf32> to vector<4x4096xf32>
      %concatenate3A_140 = tpu.concatenate %get3A_139, %broadcast_in_dim3A_6 in 0 : vector<4x4096xf32>, vector<4x4096xf32> -> vector<8x4096xf32>
      %get3A_141 = arith.constant 0 : index
      %get3A_142 = arith.constant 0 : index
      %get3A_143 = vector.load %arg2[%get3A_141, %get3A_142] : memref<64x8xf32, #tpu.memory_space<vmem>>, vector<64x8xf32>
      %dot_general3A_144 = arith.constant dense<0.000000e+00> : vector<64x4096xf32>
      %dot_general3A_145 = tpu.matmul %get3A_143, %concatenate3A_140, %dot_general3A_144 {dimension_numbers = #tpu.dot_dimension_numbers<[1], [0], [0], [1], [0, 0, 1, 1], [], []>, transpose_lhs_hint = false} : vector<64x8xf32>, vector<8x4096xf32>, vector<64x4096xf32> -> vector<64x4096xf32>
      %get3A_146 = arith.constant 0 : index
      %get3A_147 = arith.constant 0 : index
      %get3A_148 = vector.load %arg3[%get3A_146, %get3A_147] : memref<64x1xf32, #tpu.memory_space<vmem>>, vector<64x1xf32>
      %add3A_149 = vector.broadcast %get3A_148 : vector<64x1xf32> to vector<64x4096xf32>
      %add3A_150 = arith.addf %dot_general3A_145, %add3A_149 : vector<64x4096xf32>
      %max3A_151 = arith.constant 0.000000e+00 : f32
      %max3A_152 = vector.broadcast %max3A_151 : f32 to vector<64x4096xf32>
      %max3A_153 = arith.maximumf %add3A_150, %max3A_152 : vector<64x4096xf32>
      %get3A_154 = arith.constant 0 : index
      %get3A_155 = arith.constant 0 : index
      %get3A_156 = vector.load %arg4[%get3A_154, %get3A_155] : memref<128x64xf32, #tpu.memory_space<vmem>>, vector<128x64xf32>
      %dot_general3A_157 = arith.constant dense<0.000000e+00> : vector<128x4096xf32>
      %dot_general3A_158 = tpu.matmul %get3A_156, %max3A_153, %dot_general3A_157 {dimension_numbers = #tpu.dot_dimension_numbers<[1], [0], [0], [1], [0, 0, 1, 1], [], []>, transpose_lhs_hint = false} : vector<128x64xf32>, vector<64x4096xf32>, vector<128x4096xf32> -> vector<128x4096xf32>
      %reduce_max3A_159 = arith.constant dense<0xFF800000> : vector<128xf32>
      %reduce_max3A_160 = vector.multi_reduction <maximumf>, %dot_general3A_158, %reduce_max3A_159 [1] : vector<128x4096xf32> to vector<128xf32>
      %broadcast_in_dim3A_161 = vector.shape_cast %reduce_max3A_160 : vector<128xf32> to vector<1x128xf32>
      %mul3A_162 = arith.constant 8 : i32
      %mul3A_163 = arith.muli %arg0, %mul3A_162 : i32
      %add3A_164 = arith.constant 4 : i32
      %add3A_165 = arith.addi %mul3A_163, %add3A_164 : i32
      %swap3A_166 = arith.index_cast %add3A_165 : i32 to index
      %swap3A_167 = arith.constant 0 : index
      %swap3A_168 = vector.load %arg18[%swap3A_166, %swap3A_167] : memref<64x128xf32, #tpu.memory_space<vmem>>, vector<1x128xf32>
      tpu.vector_store %arg18[%swap3A_166, %swap3A_167], %broadcast_in_dim3A_161 {strides = array<i32>} : memref<64x128xf32, #tpu.memory_space<vmem>>, vector<1x128xf32>,
      %get3A_169 = arith.constant 5 : index
      %get3A_170 = arith.constant 0 : index
      %get3A_171 = arith.constant 0 : index
      %get3A_172 = vector.load %arg1[%get3A_169, %get3A_170, %get3A_171] : memref<8x4x4096xf32, #tpu.memory_space<vmem>>, vector<1x4x4096xf32>
      %get3A_173 = vector.shape_cast %get3A_172 : vector<1x4x4096xf32> to vector<4x4096xf32>
      %concatenate3A_174 = tpu.concatenate %get3A_173, %broadcast_in_dim3A_6 in 0 : vector<4x4096xf32>, vector<4x4096xf32> -> vector<8x4096xf32>
      %get3A_175 = arith.constant 0 : index
      %get3A_176 = arith.constant 0 : index
      %get3A_177 = vector.load %arg2[%get3A_175, %get3A_176] : memref<64x8xf32, #tpu.memory_space<vmem>>, vector<64x8xf32>
      %dot_general3A_178 = arith.constant dense<0.000000e+00> : vector<64x4096xf32>
      %dot_general3A_179 = tpu.matmul %get3A_177, %concatenate3A_174, %dot_general3A_178 {dimension_numbers = #tpu.dot_dimension_numbers<[1], [0], [0], [1], [0, 0, 1, 1], [], []>, transpose_lhs_hint = false} : vector<64x8xf32>, vector<8x4096xf32>, vector<64x4096xf32> -> vector<64x4096xf32>
      %get3A_180 = arith.constant 0 : index
      %get3A_181 = arith.constant 0 : index
      %get3A_182 = vector.load %arg3[%get3A_180, %get3A_181] : memref<64x1xf32, #tpu.memory_space<vmem>>, vector<64x1xf32>
      %add3A_183 = vector.broadcast %get3A_182 : vector<64x1xf32> to vector<64x4096xf32>
      %add3A_184 = arith.addf %dot_general3A_179, %add3A_183 : vector<64x4096xf32>
      %max3A_185 = arith.constant 0.000000e+00 : f32
      %max3A_186 = vector.broadcast %max3A_185 : f32 to vector<64x4096xf32>
      %max3A_187 = arith.maximumf %add3A_184, %max3A_186 : vector<64x4096xf32>
      %get3A_188 = arith.constant 0 : index
      %get3A_189 = arith.constant 0 : index
      %get3A_190 = vector.load %arg4[%get3A_188, %get3A_189] : memref<128x64xf32, #tpu.memory_space<vmem>>, vector<128x64xf32>
      %dot_general3A_191 = arith.constant dense<0.000000e+00> : vector<128x4096xf32>
      %dot_general3A_192 = tpu.matmul %get3A_190, %max3A_187, %dot_general3A_191 {dimension_numbers = #tpu.dot_dimension_numbers<[1], [0], [0], [1], [0, 0, 1, 1], [], []>, transpose_lhs_hint = false} : vector<128x64xf32>, vector<64x4096xf32>, vector<128x4096xf32> -> vector<128x4096xf32>
      %reduce_max3A_193 = arith.constant dense<0xFF800000> : vector<128xf32>
      %reduce_max3A_194 = vector.multi_reduction <maximumf>, %dot_general3A_192, %reduce_max3A_193 [1] : vector<128x4096xf32> to vector<128xf32>
      %broadcast_in_dim3A_195 = vector.shape_cast %reduce_max3A_194 : vector<128xf32> to vector<1x128xf32>
      %mul3A_196 = arith.constant 8 : i32
      %mul3A_197 = arith.muli %arg0, %mul3A_196 : i32
      %add3A_198 = arith.constant 5 : i32
      %add3A_199 = arith.addi %mul3A_197, %add3A_198 : i32
      %swap3A_200 = arith.index_cast %add3A_199 : i32 to index
      %swap3A_201 = arith.constant 0 : index
      %swap3A_202 = vector.load %arg18[%swap3A_200, %swap3A_201] : memref<64x128xf32, #tpu.memory_space<vmem>>, vector<1x128xf32>
      tpu.vector_store %arg18[%swap3A_200, %swap3A_201], %broadcast_in_dim3A_195 {strides = array<i32>} : memref<64x128xf32, #tpu.memory_space<vmem>>, vector<1x128xf32>,
      %get3A_203 = arith.constant 6 : index
      %get3A_204 = arith.constant 0 : index
      %get3A_205 = arith.constant 0 : index
      %get3A_206 = vector.load %arg1[%get3A_203, %get3A_204, %get3A_205] : memref<8x4x4096xf32, #tpu.memory_space<vmem>>, vector<1x4x4096xf32>
      %get3A_207 = vector.shape_cast %get3A_206 : vector<1x4x4096xf32> to vector<4x4096xf32>
      %concatenate3A_208 = tpu.concatenate %get3A_207, %broadcast_in_dim3A_6 in 0 : vector<4x4096xf32>, vector<4x4096xf32> -> vector<8x4096xf32>
      %get3A_209 = arith.constant 0 : index
      %get3A_210 = arith.constant 0 : index
      %get3A_211 = vector.load %arg2[%get3A_209, %get3A_210] : memref<64x8xf32, #tpu.memory_space<vmem>>, vector<64x8xf32>
      %dot_general3A_212 = arith.constant dense<0.000000e+00> : vector<64x4096xf32>
      %dot_general3A_213 = tpu.matmul %get3A_211, %concatenate3A_208, %dot_general3A_212 {dimension_numbers = #tpu.dot_dimension_numbers<[1], [0], [0], [1], [0, 0, 1, 1], [], []>, transpose_lhs_hint = false} : vector<64x8xf32>, vector<8x4096xf32>, vector<64x4096xf32> -> vector<64x4096xf32>
      %get3A_214 = arith.constant 0 : index
      %get3A_215 = arith.constant 0 : index
      %get3A_216 = vector.load %arg3[%get3A_214, %get3A_215] : memref<64x1xf32, #tpu.memory_space<vmem>>, vector<64x1xf32>
      %add3A_217 = vector.broadcast %get3A_216 : vector<64x1xf32> to vector<64x4096xf32>
      %add3A_218 = arith.addf %dot_general3A_213, %add3A_217 : vector<64x4096xf32>
      %max3A_219 = arith.constant 0.000000e+00 : f32
      %max3A_220 = vector.broadcast %max3A_219 : f32 to vector<64x4096xf32>
      %max3A_221 = arith.maximumf %add3A_218, %max3A_220 : vector<64x4096xf32>
      %get3A_222 = arith.constant 0 : index
      %get3A_223 = arith.constant 0 : index
      %get3A_224 = vector.load %arg4[%get3A_222, %get3A_223] : memref<128x64xf32, #tpu.memory_space<vmem>>, vector<128x64xf32>
      %dot_general3A_225 = arith.constant dense<0.000000e+00> : vector<128x4096xf32>
      %dot_general3A_226 = tpu.matmul %get3A_224, %max3A_221, %dot_general3A_225 {dimension_numbers = #tpu.dot_dimension_numbers<[1], [0], [0], [1], [0, 0, 1, 1], [], []>, transpose_lhs_hint = false} : vector<128x64xf32>, vector<64x4096xf32>, vector<128x4096xf32> -> vector<128x4096xf32>
      %reduce_max3A_227 = arith.constant dense<0xFF800000> : vector<128xf32>
      %reduce_max3A_228 = vector.multi_reduction <maximumf>, %dot_general3A_226, %reduce_max3A_227 [1] : vector<128x4096xf32> to vector<128xf32>
      %broadcast_in_dim3A_229 = vector.shape_cast %reduce_max3A_228 : vector<128xf32> to vector<1x128xf32>
      %mul3A_230 = arith.constant 8 : i32
      %mul3A_231 = arith.muli %arg0, %mul3A_230 : i32
      %add3A_232 = arith.constant 6 : i32
      %add3A_233 = arith.addi %mul3A_231, %add3A_232 : i32
      %swap3A_234 = arith.index_cast %add3A_233 : i32 to index
      %swap3A_235 = arith.constant 0 : index
      %swap3A_236 = vector.load %arg18[%swap3A_234, %swap3A_235] : memref<64x128xf32, #tpu.memory_space<vmem>>, vector<1x128xf32>
      tpu.vector_store %arg18[%swap3A_234, %swap3A_235], %broadcast_in_dim3A_229 {strides = array<i32>} : memref<64x128xf32, #tpu.memory_space<vmem>>, vector<1x128xf32>,
      %get3A_237 = arith.constant 7 : index
      %get3A_238 = arith.constant 0 : index
      %get3A_239 = arith.constant 0 : index
      %get3A_240 = vector.load %arg1[%get3A_237, %get3A_238, %get3A_239] : memref<8x4x4096xf32, #tpu.memory_space<vmem>>, vector<1x4x4096xf32>
      %get3A_241 = vector.shape_cast %get3A_240 : vector<1x4x4096xf32> to vector<4x4096xf32>
      %concatenate3A_242 = tpu.concatenate %get3A_241, %broadcast_in_dim3A_6 in 0 : vector<4x4096xf32>, vector<4x4096xf32> -> vector<8x4096xf32>
      %get3A_243 = arith.constant 0 : index
      %get3A_244 = arith.constant 0 : index
      %get3A_245 = vector.load %arg2[%get3A_243, %get3A_244] : memref<64x8xf32, #tpu.memory_space<vmem>>, vector<64x8xf32>
      %dot_general3A_246 = arith.constant dense<0.000000e+00> : vector<64x4096xf32>
      %dot_general3A_247 = tpu.matmul %get3A_245, %concatenate3A_242, %dot_general3A_246 {dimension_numbers = #tpu.dot_dimension_numbers<[1], [0], [0], [1], [0, 0, 1, 1], [], []>, transpose_lhs_hint = false} : vector<64x8xf32>, vector<8x4096xf32>, vector<64x4096xf32> -> vector<64x4096xf32>
      %get3A_248 = arith.constant 0 : index
      %get3A_249 = arith.constant 0 : index
      %get3A_250 = vector.load %arg3[%get3A_248, %get3A_249] : memref<64x1xf32, #tpu.memory_space<vmem>>, vector<64x1xf32>
      %add3A_251 = vector.broadcast %get3A_250 : vector<64x1xf32> to vector<64x4096xf32>
      %add3A_252 = arith.addf %dot_general3A_247, %add3A_251 : vector<64x4096xf32>
      %max3A_253 = arith.constant 0.000000e+00 : f32
      %max3A_254 = vector.broadcast %max3A_253 : f32 to vector<64x4096xf32>
      %max3A_255 = arith.maximumf %add3A_252, %max3A_254 : vector<64x4096xf32>
      %get3A_256 = arith.constant 0 : index
      %get3A_257 = arith.constant 0 : index
      %get3A_258 = vector.load %arg4[%get3A_256, %get3A_257] : memref<128x64xf32, #tpu.memory_space<vmem>>, vector<128x64xf32>
      %dot_general3A_259 = arith.constant dense<0.000000e+00> : vector<128x4096xf32>
      %dot_general3A_260 = tpu.matmul %get3A_258, %max3A_255, %dot_general3A_259 {dimension_numbers = #tpu.dot_dimension_numbers<[1], [0], [0], [1], [0, 0, 1, 1], [], []>, transpose_lhs_hint = false} : vector<128x64xf32>, vector<64x4096xf32>, vector<128x4096xf32> -> vector<128x4096xf32>
      %reduce_max3A_261 = arith.constant dense<0xFF800000> : vector<128xf32>
      %reduce_max3A_262 = vector.multi_reduction <maximumf>, %dot_general3A_260, %reduce_max3A_261 [1] : vector<128x4096xf32> to vector<128xf32>
      %broadcast_in_dim3A_263 = vector.shape_cast %reduce_max3A_262 : vector<128xf32> to vector<1x128xf32>
      %mul3A_264 = arith.constant 8 : i32
      %mul3A_265 = arith.muli %arg0, %mul3A_264 : i32
      %add3A_266 = arith.constant 7 : i32
      %add3A_267 = arith.addi %mul3A_265, %add3A_266 : i32
      %swap3A_268 = arith.index_cast %add3A_267 : i32 to index
      %swap3A_269 = arith.constant 0 : index
      %swap3A_270 = vector.load %arg18[%swap3A_268, %swap3A_269] : memref<64x128xf32, #tpu.memory_space<vmem>>, vector<1x128xf32>
      tpu.vector_store %arg18[%swap3A_268, %swap3A_269], %broadcast_in_dim3A_263 {strides = array<i32>} : memref<64x128xf32, #tpu.memory_space<vmem>>, vector<1x128xf32>,
    } else {
    }
    %eq3A = arith.constant 8 : i32
    %eq3A_2 = arith.cmpi eq, %arg0, %eq3A : i32
    %convert_element_type3A_3 = arith.extui %eq3A_2 : i1 to i32
    %cond3A_4 = arith.constant 0 : i32
    %cond3A_5 = arith.cmpi ne, %convert_element_type3A_3, %cond3A_4 : i32
    scf.if %cond3A_5 {
      %get3A = arith.constant 0 : index
      %get3A_6 = arith.constant 0 : index
      %get3A_7 = vector.load %arg18[%get3A, %get3A_6] : memref<64x128xf32, #tpu.memory_space<vmem>>, vector<64x128xf32>
      %transpose3A = tpu.transpose %get3A_7, [1, 0] : vector<64x128xf32> -> vector<128x64xf32>
      %get3A_8 = arith.constant 0 : index
      %get3A_9 = arith.constant 0 : index
      %get3A_10 = vector.load %arg6[%get3A_8, %get3A_9] : memref<128x1xf32, #tpu.memory_space<vmem>>, vector<128x1xf32>
      %add3A = vector.broadcast %get3A_10 : vector<128x1xf32> to vector<128x64xf32>
      %add3A_11 = arith.addf %transpose3A, %add3A : vector<128x64xf32>
      %get3A_12 = arith.constant 0 : index
      %get3A_13 = arith.constant 0 : index
      %get3A_14 = vector.load %arg7[%get3A_12, %get3A_13] : memref<256x128xf32, #tpu.memory_space<vmem>>, vector<256x128xf32>
      %dot_general3A = arith.constant dense<0.000000e+00> : vector<256x64xf32>
      %dot_general3A_15 = tpu.matmul %get3A_14, %add3A_11, %dot_general3A {dimension_numbers = #tpu.dot_dimension_numbers<[1], [0], [0], [1], [0, 0, 1, 1], [], []>, transpose_lhs_hint = false} : vector<256x128xf32>, vector<128x64xf32>, vector<256x64xf32> -> vector<256x64xf32>
      %get3A_16 = arith.constant 0 : index
      %get3A_17 = arith.constant 0 : index
      %get3A_18 = vector.load %arg8[%get3A_16, %get3A_17] : memref<256x512xf32, #tpu.memory_space<vmem>>, vector<256x512xf32>
      %get3A_19 = arith.constant 0 : index
      %get3A_20 = arith.constant 0 : index
      %get3A_21 = vector.load %arg5[%get3A_19, %get3A_20] : memref<512x64xf32, #tpu.memory_space<vmem>>, vector<512x64xf32>
      %dot_general3A_22 = arith.constant dense<0.000000e+00> : vector<256x64xf32>
      %dot_general3A_23 = tpu.matmul %get3A_18, %get3A_21, %dot_general3A_22 {dimension_numbers = #tpu.dot_dimension_numbers<[1], [0], [0], [1], [0, 0, 1, 1], [], []>, transpose_lhs_hint = false} : vector<256x512xf32>, vector<512x64xf32>, vector<256x64xf32> -> vector<256x64xf32>
      %add3A_24 = arith.addf %dot_general3A_15, %dot_general3A_23 : vector<256x64xf32>
      %get3A_25 = arith.constant 0 : index
      %get3A_26 = arith.constant 0 : index
      %get3A_27 = vector.load %arg9[%get3A_25, %get3A_26] : memref<256x1xf32, #tpu.memory_space<vmem>>, vector<256x1xf32>
      %add3A_28 = vector.broadcast %get3A_27 : vector<256x1xf32> to vector<256x64xf32>
      %add3A_29 = arith.addf %add3A_24, %add3A_28 : vector<256x64xf32>
      %max3A = arith.constant 0.000000e+00 : f32
      %max3A_30 = vector.broadcast %max3A : f32 to vector<256x64xf32>
      %max3A_31 = arith.maximumf %add3A_29, %max3A_30 : vector<256x64xf32>
      %get3A_32 = arith.constant 0 : index
      %get3A_33 = arith.constant 0 : index
      %get3A_34 = vector.load %arg10[%get3A_32, %get3A_33] : memref<128x256xf32, #tpu.memory_space<vmem>>, vector<128x256xf32>
      %dot_general3A_35 = arith.constant dense<0.000000e+00> : vector<128x64xf32>
      %dot_general3A_36 = tpu.matmul %get3A_34, %max3A_31, %dot_general3A_35 {dimension_numbers = #tpu.dot_dimension_numbers<[1], [0], [0], [1], [0, 0, 1, 1], [], []>, transpose_lhs_hint = false} : vector<128x256xf32>, vector<256x64xf32>, vector<128x64xf32> -> vector<128x64xf32>
      %get3A_37 = arith.constant 0 : index
      %get3A_38 = arith.constant 0 : index
      %get3A_39 = vector.load %arg11[%get3A_37, %get3A_38] : memref<128x1xf32, #tpu.memory_space<vmem>>, vector<128x1xf32>
      %add3A_40 = vector.broadcast %get3A_39 : vector<128x1xf32> to vector<128x64xf32>
      %add3A_41 = arith.addf %dot_general3A_36, %add3A_40 : vector<128x64xf32>
      %get3A_42 = arith.constant 0 : index
      %get3A_43 = arith.constant 0 : index
      %get3A_44 = vector.load %arg12[%get3A_42, %get3A_43] : memref<8192x128xf32, #tpu.memory_space<vmem>>, vector<8192x128xf32>
      %get3A_45 = arith.constant 0 : index
      %get3A_46 = arith.constant 0 : index
      %get3A_47 = vector.load %arg13[%get3A_45, %get3A_46] : memref<8192x1xf32, #tpu.memory_space<vmem>>, vector<8192x1xf32>
      %mul3A = arith.mulf %add3A_41, %add3A_41 : vector<128x64xf32>
      %reduce_sum3A = arith.constant dense<0.000000e+00> : vector<64xf32>
      %reduce_sum3A_48 = vector.multi_reduction <add>, %mul3A, %reduce_sum3A [0] : vector<128x64xf32> to vector<64xf32>
      %broadcast_in_dim3A = vector.shape_cast %reduce_sum3A_48 : vector<64xf32> to vector<1x64xf32>
      %dot_general3A_49 = arith.constant dense<0.000000e+00> : vector<8192x64xf32>
      %dot_general3A_50 = tpu.matmul %get3A_44, %add3A_41, %dot_general3A_49 {dimension_numbers = #tpu.dot_dimension_numbers<[1], [0], [0], [1], [0, 0, 1, 1], [], []>, transpose_lhs_hint = false} : vector<8192x128xf32>, vector<128x64xf32>, vector<8192x64xf32> -> vector<8192x64xf32>
      %mul3A_51 = arith.constant 2.000000e+00 : f32
      %mul3A_52 = vector.broadcast %mul3A_51 : f32 to vector<8192x64xf32>
      %mul3A_53 = arith.mulf %mul3A_52, %dot_general3A_50 : vector<8192x64xf32>
      %sub3A = vector.broadcast %broadcast_in_dim3A : vector<1x64xf32> to vector<8192x64xf32>
      %sub3A_54 = arith.subf %sub3A, %mul3A_53 : vector<8192x64xf32>
      %add3A_55 = vector.broadcast %get3A_47 : vector<8192x1xf32> to vector<8192x64xf32>
      %add3A_56 = arith.addf %sub3A_54, %add3A_55 : vector<8192x64xf32>
      %reduce_min3A = arith.constant dense<0x7F800000> : vector<64xf32>
      %reduce_min3A_57 = vector.multi_reduction <minimumf>, %add3A_56, %reduce_min3A [0] : vector<8192x64xf32> to vector<64xf32>
      %iota3A = tpu.iota {dimensions = array<i32: 0>} : vector<8192x64xi32>
      %broadcast_in_dim3A_58 = vector.shape_cast %reduce_min3A_57 : vector<64xf32> to vector<1x64xf32>
      %eq3A_59 = vector.broadcast %broadcast_in_dim3A_58 : vector<1x64xf32> to vector<8192x64xf32>
      %eq3A_60 = arith.cmpf oeq, %add3A_56, %eq3A_59 : vector<8192x64xf32>
      %jit3A = arith.constant 8192 : i32
      %broadcast_in_dim3A_61 = vector.broadcast %jit3A : i32 to vector<8192x64xi32>
      %select_n3A = arith.select %eq3A_60, %iota3A, %broadcast_in_dim3A_61 : vector<8192x64xi1>, vector<8192x64xi32>
      %reduce_min3A_62 = arith.constant dense<2147483647> : vector<64xi32>
      %reduce_min3A_63 = vector.multi_reduction <minsi>, %select_n3A, %reduce_min3A_62 [0] : vector<8192x64xi32> to vector<64xi32>
      %iota3A_64 = tpu.iota {dimensions = array<i32: 1>} : vector<64x8192xi32>
      %broadcast_in_dim3A_65 = vector.shape_cast %reduce_min3A_63 : vector<64xi32> to vector<64x1xi32>
      %eq3A_66 = vector.broadcast %broadcast_in_dim3A_65 : vector<64x1xi32> to vector<64x8192xi32>
      %eq3A_67 = arith.cmpi eq, %iota3A_64, %eq3A_66 : vector<64x8192xi32>
      %convert_element_type3A_68 = arith.extui %eq3A_67 : vector<64x8192xi1> to vector<64x8192xi32>
      %convert_element_type3A_69 = arith.sitofp %convert_element_type3A_68 : vector<64x8192xi32> to vector<64x8192xf32>
      %dot_general3A_70 = arith.constant dense<0.000000e+00> : vector<64x128xf32>
      %dot_general3A_71 = tpu.matmul %convert_element_type3A_69, %get3A_44, %dot_general3A_70 {dimension_numbers = #tpu.dot_dimension_numbers<[1], [0], [0], [1], [0, 0, 1, 1], [], []>, transpose_lhs_hint = false} : vector<64x8192xf32>, vector<8192x128xf32>, vector<64x128xf32> -> vector<64x128xf32>
      %transpose3A_72 = tpu.transpose %add3A_41, [1, 0] : vector<128x64xf32> -> vector<64x128xf32>
      %swap3A = arith.constant 0 : index
      %swap3A_73 = arith.constant 0 : index
      %swap3A_74 = vector.load %arg15[%swap3A, %swap3A_73] : memref<64x128xf32, #tpu.memory_space<vmem>>, vector<64x128xf32>
      tpu.vector_store %arg15[%swap3A, %swap3A_73], %transpose3A_72 {strides = array<i32>} : memref<64x128xf32, #tpu.memory_space<vmem>>, vector<64x128xf32>,
      %sub3A_75 = arith.subf %dot_general3A_71, %transpose3A_72 : vector<64x128xf32>
      %add3A_76 = arith.addf %transpose3A_72, %sub3A_75 : vector<64x128xf32>
      %swap3A_77 = arith.constant 0 : index
      %swap3A_78 = arith.constant 0 : index
      %swap3A_79 = vector.load %arg14[%swap3A_77, %swap3A_78] : memref<64x128xf32, #tpu.memory_space<vmem>>, vector<64x128xf32>
      tpu.vector_store %arg14[%swap3A_77, %swap3A_78], %add3A_76 {strides = array<i32>} : memref<64x128xf32, #tpu.memory_space<vmem>>, vector<64x128xf32>,
      %sub3A_80 = arith.subf %dot_general3A_71, %transpose3A_72 : vector<64x128xf32>
      %mul3A_81 = arith.mulf %sub3A_80, %sub3A_80 : vector<64x128xf32>
      %reduce_sum3A_82 = vector.shape_cast %mul3A_81 : vector<64x128xf32> to vector<1x64x128xf32>
      %reduce_sum3A_83 = arith.constant dense<0.000000e+00> : vector<1xf32>
      %reduce_sum3A_84 = vector.multi_reduction <add>, %reduce_sum3A_82, %reduce_sum3A_83 [1, 2] : vector<1x64x128xf32> to vector<1xf32>
      %reduce_sum3A_85 = vector.shape_cast %reduce_sum3A_84 : vector<1xf32> to vector<1x1x1xf32>
      %reduce_sum3A_86 = vector.extract %reduce_sum3A_85[0, 0, 0] : f32 from vector<1x1x1xf32>
      %div3A = arith.constant 8.192000e+03 : f32
      %div3A_87 = arith.divf %reduce_sum3A_86, %div3A : f32
      %broadcast_in_dim3A_88 = vector.broadcast %div3A_87 : f32 to vector<1x1xf32>
      %swap3A_89 = arith.constant 0 : index
      %swap3A_90 = arith.constant 0 : index
      %swap3A_91 = vector.load %arg16[%swap3A_89, %swap3A_90] : memref<1x1xf32, #tpu.memory_space<vmem>>, vector<1x1xf32>
      tpu.vector_store %arg16[%swap3A_89, %swap3A_90], %broadcast_in_dim3A_88 {strides = array<i32>} : memref<1x1xf32, #tpu.memory_space<vmem>>, vector<1x1xf32>,
      %broadcast_in_dim3A_92 = vector.shape_cast %reduce_min3A_63 : vector<64xi32> to vector<64x1xi32>
      %swap3A_93 = arith.constant 0 : index
      %swap3A_94 = arith.constant 0 : index
      %swap3A_95 = vector.load %arg17[%swap3A_93, %swap3A_94] : memref<64x1xi32, #tpu.memory_space<vmem>>, vector<64x1xi32>
      tpu.vector_store %arg17[%swap3A_93, %swap3A_94], %broadcast_in_dim3A_92 {strides = array<i32>} : memref<64x1xi32, #tpu.memory_space<vmem>>, vector<64x1xi32>,
    } else {
    }
    return
  }
  func.func @transform_0(%arg0: i32) -> (i32, i32, i32) {
    %min3A = arith.constant 7 : i32
    %min3A_0 = arith.minsi %arg0, %min3A : i32
    %c0_i32 = arith.constant 0 : i32
    %c0_i32_1 = arith.constant 0 : i32
    %c0_i32_2 = arith.constant 0 : i32
    return %min3A_0, %c0_i32, %c0_i32_1 : i32, i32, i32
  }
  func.func @transform_1(%arg0: i32) -> (i32, i32) {
    %c0_i32 = arith.constant 0 : i32
    %c0_i32_0 = arith.constant 0 : i32
    %c0_i32_1 = arith.constant 0 : i32
    return %c0_i32, %c0_i32_0 : i32, i32
  }
  func.func @transform_2(%arg0: i32) -> (i32, i32) {
    %c0_i32 = arith.constant 0 : i32
    %c0_i32_0 = arith.constant 0 : i32
    %c0_i32_1 = arith.constant 0 : i32
    return %c0_i32, %c0_i32_0 : i32, i32
  }
  func.func @transform_3(%arg0: i32) -> (i32, i32) {
    %c0_i32 = arith.constant 0 : i32
    %c0_i32_0 = arith.constant 0 : i32
    %c0_i32_1 = arith.constant 0 : i32
    return %c0_i32, %c0_i32_0 : i32, i32
  }
  func.func @transform_4(%arg0: i32) -> (i32, i32) {
    %c0_i32 = arith.constant 0 : i32
    %c0_i32_0 = arith.constant 0 : i32
    %c0_i32_1 = arith.constant 0 : i32
    return %c0_i32, %c0_i32_0 : i32, i32
  }
  func.func @transform_5(%arg0: i32) -> (i32, i32) {
    %c0_i32 = arith.constant 0 : i32
    %c0_i32_0 = arith.constant 0 : i32
    %c0_i32_1 = arith.constant 0 : i32
    return %c0_i32, %c0_i32_0 : i32, i32
  }
  func.func @transform_6(%arg0: i32) -> (i32, i32) {
    %c0_i32 = arith.constant 0 : i32
    %c0_i32_0 = arith.constant 0 : i32
    %c0_i32_1 = arith.constant 0 : i32
    return %c0_i32, %c0_i32_0 : i32, i32
  }
  func.func @transform_7(%arg0: i32) -> (i32, i32) {
    %c0_i32 = arith.constant 0 : i32
    %c0_i32_0 = arith.constant 0 : i32
    %c0_i32_1 = arith.constant 0 : i32
    return %c0_i32, %c0_i32_0 : i32, i32
  }
  func.func @transform_8(%arg0: i32) -> (i32, i32) {
    %c0_i32 = arith.constant 0 : i32
    %c0_i32_0 = arith.constant 0 : i32
    %c0_i32_1 = arith.constant 0 : i32
    return %c0_i32, %c0_i32_0 : i32, i32
  }
  func.func @transform_9(%arg0: i32) -> (i32, i32) {
    %c0_i32 = arith.constant 0 : i32
    %c0_i32_0 = arith.constant 0 : i32
    %c0_i32_1 = arith.constant 0 : i32
    return %c0_i32, %c0_i32_0 : i32, i32
  }
  func.func @transform_10(%arg0: i32) -> (i32, i32) {
    %c0_i32 = arith.constant 0 : i32
    %c0_i32_0 = arith.constant 0 : i32
    %c0_i32_1 = arith.constant 0 : i32
    return %c0_i32, %c0_i32_0 : i32, i32
  }
  func.func @transform_11(%arg0: i32) -> (i32, i32) {
    %c0_i32 = arith.constant 0 : i32
    %c0_i32_0 = arith.constant 0 : i32
    %c0_i32_1 = arith.constant 0 : i32
    return %c0_i32, %c0_i32_0 : i32, i32
  }
  func.func @transform_12(%arg0: i32) -> (i32, i32) {
    %c0_i32 = arith.constant 0 : i32
    %c0_i32_0 = arith.constant 0 : i32
    %c0_i32_1 = arith.constant 0 : i32
    return %c0_i32, %c0_i32_0 : i32, i32
  }
  func.func @transform_13(%arg0: i32) -> (i32, i32) {
    %c0_i32 = arith.constant 0 : i32
    %c0_i32_0 = arith.constant 0 : i32
    %c0_i32_1 = arith.constant 0 : i32
    return %c0_i32, %c0_i32_0 : i32, i32
  }
  func.func @transform_14(%arg0: i32) -> (i32, i32) {
    %c0_i32 = arith.constant 0 : i32
    %c0_i32_0 = arith.constant 0 : i32
    %c0_i32_1 = arith.constant 0 : i32
    return %c0_i32, %c0_i32_0 : i32, i32
  }
  func.func @transform_15(%arg0: i32) -> (i32, i32) {
    %c0_i32 = arith.constant 0 : i32
    %c0_i32_0 = arith.constant 0 : i32
    %c0_i32_1 = arith.constant 0 : i32
    return %c0_i32, %c0_i32_0 : i32, i32
  }
  func.func @transform_16(%arg0: i32) -> (i32, i32) {
    %c0_i32 = arith.constant 0 : i32
    %c0_i32_0 = arith.constant 0 : i32
    %c0_i32_1 = arith.constant 0 : i32
    return %c0_i32, %c0_i32_0 : i32, i32
  }
}

</mosaic_0001>

<sc_bundles>
// kernel: kernel.4.cloned.1.call-start
scs
__scs_entry_jumppad:
0x0: {  	(pc) =	sbr.rel $0x88, $3  }
0x1: {  	(tag) =	ssettag $0x0;
	lr =	simm.s32 $0x1  }
0x2: {  	[smem:$0x3F95] =	sst lr;
	_ =	strace $0xD0000000  }
0x3: {  	_ = 	snop  }
0x4: {  	_ = 	snop  }
0x5: {  	_ = 	snop  }
0x6: {  	_ = 	snop  }
0x7: {  	_ = 	snop  }
__scs_overlays_trampoline_lowered:
0x8: {  	[smem:$0x3FA4] =	sst s0  }
0x9: {  	[smem:$0x3FA5] =	sst s1  }
0xa: {  	[smem:$0x3FA6] =	sst s2  }
0xb: {  	[smem:$0x3FA7] =	sst s3  }
0xc: {  	[smem:$0x3FA8] =	sst s4  }
0xd: {  	[smem:$0x3FA9] =	sst s5  }
0xe: {  	[smem:$0x3FAA] =	sst s6  }
0xf: {  	[smem:$0x3FAB] =	sst s7  }
0x10: {  	[smem:$0x3FAC] =	sst s8  }
0x11: {  	[smem:$0x3FAD] =	sst s9;
	s0 =	simm.s32 @!p0 $0x0  }
0x12: {  	s1 =	sld [smem:$0x3F93];
	s0 =	simm.s32 @p0 $0x1  }
0x13: {  	[smem:$0x3FAE] =	sst s0;
	s0 =	simm.s32 @!p1 $0x0  }
0x14: {  	s2 =	sld [smem:$0x3F92];
	s0 =	simm.s32 @p1 $0x1  }
0x15: {  	[smem:$0x3FAF] =	sst s0;
	s0 =	simm.s32 @!p2 $0x0  }
0x16: {  	s3 =	sld [smem:$0x3FDB];
	s0 =	simm.s32 @p2 $0x1  }
0x17: {  	s4 =	simm.s32 $0x1BF5;
	[smem:$0x3FB1] =	sst s0  }
0x18: {  	s0 =	sld [smem:$0x3F94];
	_ =	swait.ge [sflag:s4], $0x0  }
0x19: {  	s7 =	sld [smem:$0x3F95]  }
0x1a: {  	s8 =	sadd.s32 $0xFFFFE003, lr  }
0x1b: {  	s9 =	sadd.s32 $0xFFFFFEF7, lr;
	s5 =	simm.s32 $0xFFFFFFFF;
	p2 =	slt.u32 s8, $0xFFFFF086  }
0x1c: {  	p1 =	slt.u32 s9, $0xF7A;
	s5 =	simm.s32 @!p2 $0x0  }
0x1d: {  	s5 =	simm.s32 @p1 $0x1;
	p0 =	seq.s32 s7, s2  }
0x1e: {  	s7 =	smul.u32 @!p0 $0xF7A, s2;
	p2 =	seq.s32 @!p0 s5, $0x0  }
0x1f: {  	s9 =	smul.u32 $0xF7A, s1;
	s8 =	simm.s32 @!p0 $0x1BF5;
	p2 =	por !p2, p0  }
0x20: {  	[sflag:s8] =	ssyncset.s32 @!p0 $0xFFFFF086;
	s6 =	sadd.s32 @!p0 s3, s7;
	s7 =	simm.s32 @!p0 $0x108  }
0x21: {  	s3 =	sadd.s32 s3, s9;
	s6 =	sadd.s32 @!p0 $0x88, s6;
	s7 =	simm.s32 @p2 $0x1082  }
0x22: {  	[simem:s7], [sflag:s8] =	dma.local @!p0 [hbm:s6], $0xF7A  }
0x23: {  	s9 =	sor.u32 $0xD0000000, s2;
	s6 =	simm.s32 $0x108;
	_ =	swait.ge @!p0 [sflag:s8], $0x0  }
0x24: {  	s3 =	sadd.s32 $0x88, s3;
	s6 =	simm.s32 @!p1 $0x1082;
	[sflag:s4] =	ssyncset.s32 $0xFFFFF086  }
0x25: {  	[simem:s6], [sflag:s4] =	dma.local [hbm:s3], $0xF7A  }
0x26: {  	[smem:$0x3F95] =	sst s1;
	(tag) =	ssettag s2;
	_ =	strace s9  }
0x27: {  	s1 =	sld [smem:$0x3FA5]  }
0x28: {  	s2 =	sld [smem:$0x3FA6]  }
0x29: {  	s4 =	sld [smem:$0x3FA8]  }
0x2a: {  	p0 =	seq.s32 s5, $0x0;
	s5 =	sld [smem:$0x3FA9]  }
0x2b: {  	s6 =	sld [smem:$0x3FAA]  }
0x2c: {  	s7 =	sld [smem:$0x3FAB]  }
0x2d: {  	s3 =	simm.s32 $0x108;
	s8 =	sld [smem:$0x3FAC]  }
0x2e: {  	s3 =	simm.s32 @!p0 $0x1082;
	s9 =	sld [smem:$0x3FAD]  }
0x2f: {  	lr =	sadd.s32 s0, s3;
	s0 =	sld [smem:$0x3FA4]  }
0x30: {  	s3 =	sld [smem:$0x3FA7]  }
0x31: {  	[smem:$0x3FB0] =	sst s10  }
0x32: {  	s10 =	sld [smem:$0x3FAE];
	_ =	sdelay $0x3  }
0x33: {  	p0 =	seq.s32 s10, $0x1;
	s10 =	sld [smem:$0x3FB0];
	_ =	sdelay $0x3  }
0x34: {  	[smem:$0x3FB0] =	sst s10  }
0x35: {  	s10 =	sld [smem:$0x3FAF];
	_ =	sdelay $0x3  }
0x36: {  	p1 =	seq.s32 s10, $0x1;
	s10 =	sld [smem:$0x3FB0];
	_ =	sdelay $0x3  }
0x37: {  	[smem:$0x3FB0] =	sst s10  }
0x38: {  	s10 =	sld [smem:$0x3FB1]  }
0x39: {  	_ = 	snop;
	(pc) =	sbr.ind lr, $3  }
0x3a: {  	_ = 	snop  }
0x3b: {  	_ = 	snop  }
0x3c: {  	p2 =	seq.s32 s10, $0x1;
	s10 =	sld [smem:$0x3FB0]  }
0x3d: {  	_ =	shalt  }
0x3e: {  	_ =	shalt  }
0x3f: {  	_ =	shalt  }
0x40: {  	_ =	shalt  }
0x41: {  	_ =	shalt  }
0x42: {  	_ =	shalt  }
0x43: {  	_ =	shalt  }
0x44: {  	_ =	shalt  }
0x45: {  	_ =	shalt  }
0x46: {  	_ =	shalt  }
0x47: {  	_ =	shalt  }
0x48: {  	_ =	shalt  }
0x49: {  	_ =	shalt  }
0x4a: {  	_ =	shalt  }
0x4b: {  	_ =	shalt  }
0x4c: {  	_ =	shalt  }
0x4d: {  	_ =	shalt  }
0x4e: {  	_ =	shalt  }
0x4f: {  	_ =	shalt  }
0x50: {  	_ =	shalt  }
0x51: {  	_ =	shalt  }
0x52: {  	_ =	shalt  }
0x53: {  	_ =	shalt  }
0x54: {  	_ =	shalt  }
0x55: {  	_ =	shalt  }
0x56: {  	_ =	shalt  }
0x57: {  	_ =	shalt  }
0x58: {  	_ =	shalt  }
0x59: {  	_ =	shalt  }
0x5a: {  	_ =	shalt  }
0x5b: {  	_ =	shalt  }
0x5c: {  	_ =	shalt  }
0x5d: {  	_ =	shalt  }
0x5e: {  	_ =	shalt  }
0x5f: {  	_ =	shalt  }
0x60: {  	_ =	shalt  }
0x61: {  	_ =	shalt  }
0x62: {  	_ =	shalt  }
0x63: {  	_ =	shalt  }
0x64: {  	_ =	shalt  }
0x65: {  	_ =	shalt  }
0x66: {  	_ =	shalt  }
0x67: {  	_ =	shalt  }
0x68: {  	_ =	shalt  }
0x69: {  	_ =	shalt  }
0x6a: {  	_ =	shalt  }
0x6b: {  	_ =	shalt  }
0x6c: {  	_ =	shalt  }
0x6d: {  	_ =	shalt  }
0x6e: {  	_ =	shalt  }
0x6f: {  	_ =	shalt  }
0x70: {  	_ =	shalt  }
0x71: {  	_ =	shalt  }
0x72: {  	_ =	shalt  }
0x73: {  	_ =	shalt  }
0x74: {  	_ =	shalt  }
0x75: {  	_ =	shalt  }
0x76: {  	_ =	shalt  }
0x77: {  	_ =	shalt  }
0x78: {  	_ =	shalt  }
0x79: {  	_ =	shalt  }
0x7a: {  	_ =	shalt  }
0x7b: {  	_ =	shalt  }
0x7c: {  	_ =	shalt  }
0x7d: {  	_ =	shalt  }
0x7e: {  	_ =	shalt  }
0x7f: {  	_ =	shalt  }
0x80: {  	_ =	shalt  }
0x81: {  	_ =	shalt  }
0x82: {  	_ =	shalt  }
0x83: {  	_ =	shalt  }
0x84: {  	_ =	shalt  }
0x85: {  	_ =	shalt  }
0x86: {  	_ =	shalt  }
0x87: {  	_ =	shalt  }
.Lfunc_end0:
.L_simem_size_0:
called_computation_lowered:
.L_overlay_start_0:
0x88: {  	s2 =	sld [smem:$0x3FD9]  }
0x89: {  	s3 =	sld [smem:$0x3FFE];
	_ =	sdelay $0x1  }
0x8a: {  	s1 =	srdreg.scid  }
0x8b: {  	s0 =	sand.u32 $0x1, s1  }
0x8c: {  	s14 =	sshll.u32 s0, $0xA;
	s2 =	sadd.s32 s3, s2  }
0x8d: {  	s2 =	sadd.s32 s2, s14  }
0x8e: {  	[smem:$0x3FBC] =	sst s2  }
0x8f: {  	_ = 	snop  }
0x90: {  	s2 =	sld [smem:$0x3FD0];
	_ =	sdelay $0x2  }
0x91: {  	s15 =	simm.s32 $0xA;
	s4 =	simm.s32 $0x10  }
0x92: {  	[smem:s4], [sflag:s15] =	dma.local [hbm:s2], $0x1  }
0x93: {  	_ =	swait.eq [sflag:s15], $0x1  }
0x94: {  	[sflag:s15] =	ssyncset.done $0x0  }
0x95: {  	[sflag:s15] =	ssyncadd.s32 $0xFFFFFFFF  }
0x96: {  	s16 =	sld [smem:$0x11];
	(tm) =	ssettm $0x1  }
0x97: {  	s17 =	sld [smem:$0x3FFB];
	_ =	sdelay $0x3  }
0x98: {  	_ =	strace s17  }
0x99: {  	s3 =	sld [smem:$0x3FFC];
	_ =	sdelay $0x3  }
0x9a: {  	_ =	strace s3  }
0x9b: {  	s3 =	sld [smem:$0x3FFD];
	_ =	sdelay $0x3  }
0x9c: {  	_ =	strace s3  }
0x9d: {  	_ =	strace $0x8FFFFFFF  }
0x9e: {  	s18 =	sld [smem:$0x3FDB];
	_ =	sdelay $0x1  }
0x9f: {  	s19 =	simm.s32 $_scs_section_size  }
0xa0: {  	s5 =	simm.s32 $_size__tile_overlayer_lowered;
	s6 =	simm.s32 $_tile_overlayer_lowered  }
0xa1: {  	s22 =	simm.s32 $0x1BFF;
	s21 =	sshll.u32 s6, $0x1;
	s3 =	sadd.s32 s19, s18  }
0xa2: {  	s7 =	simm.s32 $0x0;
	s20 =	sshll.u32 s5, $0x1;
	s5 =	sadd.s32 s21, s3  }
0xa3: {  	[timem:s7], [sflag:s22] =	dma.local [hbm:s5], s20  }
0xa4: {  	_ =	swait.ge [sflag:s22], s20  }
0xa5: {  	s4 =	ssub.s32 $0x0, s20;
	[sflag:s22] =	ssyncset.done $0x0  }
0xa6: {  	[sflag:s22] =	ssyncadd.s32 s4;
	_ =	sdelay $0x1  }
0xa7: {  	s23 =	simm.s32 $0x1B8B  }
0xa8: {  	_ =	swait.ge [sflag:s23], $0x1  }
0xa9: {  	[sflag:s23] =	ssyncset.done $0x0  }
0xaa: {  	s25 =	simm.s32 $0x1B8E;
	s24 =	sld [smem:$0x3FFE];
	[sflag:s23] =	ssyncadd.s32 $0xFFFFFFFF  }
0xab: {  	s26 =	simm.s32 $execute0_lowered;
	[smem:$0x3FD2] =	sst s25  }
0xac: {  	s5 =	sshll.u32 s26, $0x1;
	_ =	strace $0x80000046;
	[dreg:$0x1] =	wrdreg $0xFFFFFFFF  }
0xad: {  	s28 =	simm.s32 $_size_execute0_lowered;
	s3 =	sadd.s32 s3, s5;
	[dreg:$0x0] =	wrdreg $0x0  }
0xae: {  	s5 =	sshll.u32 s28, $0x1;
	[dreg:$0x2] =	wrdreg s3  }
0xaf: {  	[dreg:$0x3] =	wrdreg s5  }
0xb0: {  	[dreg:$0x4] =	wrdreg $0xC0  }
0xb1: {  	_ =	task [dreg:s7], $0x5FFFF  }
0xb2: {  	[dreg:$0x1] =	wrdreg $0xFFFFFFFF  }
0xb3: {  	[dreg:$0x0] =	wrdreg $0x60  }
0xb4: {  	[dreg:$0x2] =	wrdreg s24  }
0xb5: {  	[dreg:$0x3] =	wrdreg s16  }
0xb6: {  	[dreg:$0x4] =	wrdreg $0x9  }
0xb7: {  	_ =	task.clear_ibuf [dreg:s7], $0x5FFFF;
	_ =	strace $0x90000046  }
0xb8: {  	s29 =	simm.s32 $0x9;
	_ =	strace $0x80000048  }
0xb9: {  	_ =	swait.ge [sflag:s29], $0x1  }
0xba: {  	[sflag:s29] =	ssyncadd.s32 $0xFFFFFFFF  }
0xbb: {  	_ =	strace $0x90000048  }
0xbc: {  	_ =	sfence  }
0xbd: {  	s30 =	sld [smem:$0x0];
	_ =	sdelay $0x2  }
0xbe: {  	s31 =	sshll.u32 s1, $0xD;
	s1 =	sshrl.u32 s1, $0x2  }
0xbf: {  	s3 =	sand.u32 $0x4000, s31;
	s1 =	sadd.s32 s1, s30  }
0xc0: {  	s0 =	sor.u32 s3, s0;
	s1 =	sshll.u32 s1, $0x11  }
0xc1: {  	s0 =	sor.u32 s1, s0  }
0xc2: {  	s0 =	sadd.s32 $0x8F2B, s0  }
0xc3: {  	[sflag:s0] =	ssyncadd.remote.s32 $0x1  }
0xc4: {  	_ =	sfence.sel $0xFFFF  }
0xc5: {  	[dreg:$0x0] =	wrdreg $0xFFFFFFFF;
	(pc) =	sbr.abs _section_cstart, $3  }
0xc6: {  	[dreg:$0x1] =	wrdreg $0xFFFFFFFF  }
0xc7: {  	_ =	task.clear_ibuf [dreg:s7], $0x2FFFF;
	_ =	strace $0x9FFFFFFF  }
0xc8: {  	(tm) =	ssettm $0x7FFFFFFF  }
0xc9: {  	_ =	shalt  }
tec
execute0_lowered:
.L_overlay_start_1:
0x0: {  	(tag) =	ssettag $0x1  }
0x1: {  	s3 =	rddreg [dreg:$0x0]  }
0x2: {  	s4 =	rddreg [dreg:$0x1]  }
0x3: {  	s0 =	rddreg [dreg:$0x2];
	s5 =	srdreg.scid  }
0x4: {  	s2 =	simm.s32 $0x0;
	s1 =	stileid.u32;
	s8 =	simm.s32 $0x1  }
0x5: {  	s9 =	simm.s32 $0x8000;
	s10 =	simm.s32 $0x0;
	s5 =	sand.u32 $0x1, s5  }
0x6: {  	[smem:$0x7FF] =	sst s2;
	s6 =	sshll.u32 s1, $0x9;
	s7 =	sshll.u32 s5, $0x8  }
0x7: {  	_ =	strace $0x80000047;
	s5 =	ssub.s32 $0x2, s5;
	s6 =	sor.u32 s7, s6  }
0x8: {  	s31 =	sshrl.u32 s5, $0x1;
	s7 =	simm.s32 $0x10000;
	s3 =	sadd.s32 s6, s3  }
0x9: {  	s6 =	sshrl.u32 s6, $0x3;
	s5 =	ssub.s32 s5, s31;
	s3 =	sadd.s32 $0x1600, s3  }
0xa: {  	s4 =	sadd.s32 s4, s6;
	s5 =	smax.u32 s5, $0x1;
	s6 =	simm.s32 $0x800  }
.LBB2_1:
0xb: {  	[tilespmem:s2], [sflag:$0x1] =	stream.strided.gather [hbm4b:s3+s6], $0x8000, s7, s6, $0x38;
	[tilespmem:$0x8100] =	vst v63  }
0xc: {  	_ =	swait.ge [sflag:s8], $0x8000  }
0xd: {  	[sflag:s8] =	ssyncset.done $0x0  }
0xe: {  	[sflag:s8] =	ssyncadd.s32 $0xFFFF8000  }
0xf: {  	v0 =	vld [tilespmem:$0x0]  }
0x10: {  	s12 =	simm.s32 $0x100;
	s11 =	simm.s32 $0x80  }
0x11: {  	s12 =	sand.u32 $0x7800, s12;
	s13 =	sand.u32 $0x380, s11  }
0x12: {  	s13 =	sor.u32 s13, s12  }
0x13: {  	v1 =	vld [tilespmem:s13+$0x0]  }
0x14: {  	s12 =	simm.s32 $0x200;
	v0 =	vmul.f32 v0, v0  }
.LBB2_2:
0x15: {  	p0 =	sne.s32 s12, $0x7F00  }
.Ltmp0:
0x16: {  	s13 =	sand.u32 $0x7800, s12;
	s11 =	sadd.s32 $0x80, s11;
	(pc) =	sbr.rel @p0 .LBB2_2-.Ltmp0, $4  }
0x17: {  	s12 =	sadd.s32 $0x100, s12;
	s14 =	sand.u32 $0x380, s11  }
0x18: {  	s13 =	sor.u32 s14, s13;
	v2 =	vmul.f32 v1, v1  }
0x19: {  	v1 =	vld [tilespmem:s13+$0x0]  }
0x1a: {  	v0 =	vadd.f32 v2, v0  }
0x1b: {  	_ =	sdelay $0x2  }
0x1c: {  	v1 =	vmul.f32 v1, v1  }
0x1d: {  	v2 =	vld [tilespmem:$0x10]  }
0x1e: {  	s12 =	simm.s32 $0x100;
	s11 =	simm.s32 $0x80;
	v0 =	vadd.f32 v1, v0  }
0x1f: {  	s12 =	sand.u32 $0x7800, s12;
	s13 =	sand.u32 $0x380, s11  }
0x20: {  	s13 =	sor.u32 s13, s12;
	[tilespmem:$0x8000] =	vst v0  }
0x21: {  	v1 =	vld [tilespmem:s13+$0x10]  }
0x22: {  	s12 =	simm.s32 $0x200;
	v0 =	vmul.f32 v2, v2  }
.LBB2_4:
0x23: {  	p0 =	sne.s32 s12, $0x7F00  }
.Ltmp1:
0x24: {  	s13 =	sand.u32 $0x7800, s12;
	s11 =	sadd.s32 $0x80, s11;
	(pc) =	sbr.rel @p0 .LBB2_4-.Ltmp1, $4  }
0x25: {  	s12 =	sadd.s32 $0x100, s12;
	s14 =	sand.u32 $0x380, s11  }
0x26: {  	s13 =	sor.u32 s14, s13;
	v2 =	vmul.f32 v1, v1  }
0x27: {  	v1 =	vld [tilespmem:s13+$0x10]  }
0x28: {  	v0 =	vadd.f32 v2, v0  }
0x29: {  	_ =	sdelay $0x2  }
0x2a: {  	v1 =	vmul.f32 v1, v1  }
0x2b: {  	v2 =	vld [tilespmem:$0x20]  }
0x2c: {  	s12 =	simm.s32 $0x100;
	s11 =	simm.s32 $0x80;
	v0 =	vadd.f32 v1, v0  }
0x2d: {  	s12 =	sand.u32 $0x7800, s12;
	s13 =	sand.u32 $0x380, s11  }
0x2e: {  	s13 =	sor.u32 s13, s12;
	[tilespmem:$0x8010] =	vst v0  }
0x2f: {  	v1 =	vld [tilespmem:s13+$0x20]  }
0x30: {  	s12 =	simm.s32 $0x200;
	v0 =	vmul.f32 v2, v2  }
.LBB2_6:
0x31: {  	p0 =	sne.s32 s12, $0x7F00  }
.Ltmp2:
0x32: {  	s13 =	sand.u32 $0x7800, s12;
	s11 =	sadd.s32 $0x80, s11;
	(pc) =	sbr.rel @p0 .LBB2_6-.Ltmp2, $4  }
0x33: {  	s12 =	sadd.s32 $0x100, s12;
	s14 =	sand.u32 $0x380, s11  }
0x34: {  	s13 =	sor.u32 s14, s13;
	v2 =	vmul.f32 v1, v1  }
0x35: {  	v1 =	vld [tilespmem:s13+$0x20]  }
0x36: {  	v0 =	vadd.f32 v2, v0  }
0x37: {  	_ =	sdelay $0x2  }
0x38: {  	v1 =	vmul.f32 v1, v1  }
0x39: {  	v2 =	vld [tilespmem:$0x30]  }
0x3a: {  	s12 =	simm.s32 $0x100;
	s11 =	simm.s32 $0x80;
	v0 =	vadd.f32 v1, v0  }
0x3b: {  	s12 =	sand.u32 $0x7800, s12;
	s13 =	sand.u32 $0x380, s11  }
0x3c: {  	s13 =	sor.u32 s13, s12;
	[tilespmem:$0x8020] =	vst v0  }
0x3d: {  	v1 =	vld [tilespmem:s13+$0x30]  }
0x3e: {  	s12 =	simm.s32 $0x200;
	v0 =	vmul.f32 v2, v2  }
.LBB2_8:
0x3f: {  	p0 =	sne.s32 s12, $0x7F00  }
.Ltmp3:
0x40: {  	s13 =	sand.u32 $0x7800, s12;
	s11 =	sadd.s32 $0x80, s11;
	(pc) =	sbr.rel @p0 .LBB2_8-.Ltmp3, $4  }
0x41: {  	s12 =	sadd.s32 $0x100, s12;
	s14 =	sand.u32 $0x380, s11  }
0x42: {  	s13 =	sor.u32 s14, s13;
	v2 =	vmul.f32 v1, v1  }
0x43: {  	v1 =	vld [tilespmem:s13+$0x30]  }
0x44: {  	v0 =	vadd.f32 v2, v0  }
0x45: {  	_ =	sdelay $0x2  }
0x46: {  	v1 =	vmul.f32 v1, v1  }
0x47: {  	v2 =	vld [tilespmem:$0x40]  }
0x48: {  	s12 =	simm.s32 $0x100;
	s11 =	simm.s32 $0x80;
	v0 =	vadd.f32 v1, v0  }
0x49: {  	s12 =	sand.u32 $0x7800, s12;
	s13 =	sand.u32 $0x380, s11  }
0x4a: {  	s13 =	sor.u32 s13, s12;
	[tilespmem:$0x8030] =	vst v0  }
0x4b: {  	v1 =	vld [tilespmem:s13+$0x40]  }
0x4c: {  	s12 =	simm.s32 $0x200;
	v0 =	vmul.f32 v2, v2  }
.LBB2_10:
0x4d: {  	p0 =	sne.s32 s12, $0x7F00  }
.Ltmp4:
0x4e: {  	s13 =	sand.u32 $0x7800, s12;
	s11 =	sadd.s32 $0x80, s11;
	(pc) =	sbr.rel @p0 .LBB2_10-.Ltmp4, $4  }
0x4f: {  	s12 =	sadd.s32 $0x100, s12;
	s14 =	sand.u32 $0x380, s11  }
0x50: {  	s13 =	sor.u32 s14, s13;
	v2 =	vmul.f32 v1, v1  }
0x51: {  	v1 =	vld [tilespmem:s13+$0x40]  }
0x52: {  	v0 =	vadd.f32 v2, v0  }
0x53: {  	_ =	sdelay $0x2  }
0x54: {  	v1 =	vmul.f32 v1, v1  }
0x55: {  	v2 =	vld [tilespmem:$0x50]  }
0x56: {  	s12 =	simm.s32 $0x100;
	s11 =	simm.s32 $0x80;
	v0 =	vadd.f32 v1, v0  }
0x57: {  	s12 =	sand.u32 $0x7800, s12;
	s13 =	sand.u32 $0x380, s11  }
0x58: {  	s13 =	sor.u32 s13, s12;
	[tilespmem:$0x8040] =	vst v0  }
0x59: {  	v1 =	vld [tilespmem:s13+$0x50]  }
0x5a: {  	s12 =	simm.s32 $0x200;
	v0 =	vmul.f32 v2, v2  }
.LBB2_12:
0x5b: {  	p0 =	sne.s32 s12, $0x7F00  }
.Ltmp5:
0x5c: {  	s13 =	sand.u32 $0x7800, s12;
	s11 =	sadd.s32 $0x80, s11;
	(pc) =	sbr.rel @p0 .LBB2_12-.Ltmp5, $4  }
0x5d: {  	s12 =	sadd.s32 $0x100, s12;
	s14 =	sand.u32 $0x380, s11  }
0x5e: {  	s13 =	sor.u32 s14, s13;
	v2 =	vmul.f32 v1, v1  }
0x5f: {  	v1 =	vld [tilespmem:s13+$0x50]  }
0x60: {  	v0 =	vadd.f32 v2, v0  }
0x61: {  	_ =	sdelay $0x2  }
0x62: {  	v1 =	vmul.f32 v1, v1  }
0x63: {  	v2 =	vld [tilespmem:$0x60]  }
0x64: {  	s12 =	simm.s32 $0x100;
	s11 =	simm.s32 $0x80;
	v0 =	vadd.f32 v1, v0  }
0x65: {  	s12 =	sand.u32 $0x7800, s12;
	s13 =	sand.u32 $0x380, s11  }
0x66: {  	s13 =	sor.u32 s13, s12;
	[tilespmem:$0x8050] =	vst v0  }
0x67: {  	v1 =	vld [tilespmem:s13+$0x60]  }
0x68: {  	s12 =	simm.s32 $0x200;
	v0 =	vmul.f32 v2, v2  }
.LBB2_14:
0x69: {  	p0 =	sne.s32 s12, $0x7F00  }
.Ltmp6:
0x6a: {  	s13 =	sand.u32 $0x7800, s12;
	s11 =	sadd.s32 $0x80, s11;
	(pc) =	sbr.rel @p0 .LBB2_14-.Ltmp6, $4  }
0x6b: {  	s12 =	sadd.s32 $0x100, s12;
	s14 =	sand.u32 $0x380, s11  }
0x6c: {  	s13 =	sor.u32 s14, s13;
	v2 =	vmul.f32 v1, v1  }
0x6d: {  	v1 =	vld [tilespmem:s13+$0x60]  }
0x6e: {  	v0 =	vadd.f32 v2, v0  }
0x6f: {  	_ =	sdelay $0x2  }
0x70: {  	v1 =	vmul.f32 v1, v1  }
0x71: {  	v2 =	vld [tilespmem:$0x70]  }
0x72: {  	s12 =	simm.s32 $0x100;
	s11 =	simm.s32 $0x80;
	v0 =	vadd.f32 v1, v0  }
0x73: {  	s12 =	sand.u32 $0x7800, s12;
	s13 =	sand.u32 $0x380, s11  }
0x74: {  	s13 =	sor.u32 s13, s12;
	[tilespmem:$0x8060] =	vst v0  }
0x75: {  	v1 =	vld [tilespmem:s13+$0x70]  }
0x76: {  	s12 =	simm.s32 $0x200;
	v0 =	vmul.f32 v2, v2  }
.LBB2_16:
0x77: {  	p0 =	sne.s32 s12, $0x7F00  }
.Ltmp7:
0x78: {  	s13 =	sand.u32 $0x7800, s12;
	s11 =	sadd.s32 $0x80, s11;
	(pc) =	sbr.rel @p0 .LBB2_16-.Ltmp7, $4  }
0x79: {  	s12 =	sadd.s32 $0x100, s12;
	s14 =	sand.u32 $0x380, s11  }
0x7a: {  	s13 =	sor.u32 s14, s13;
	v2 =	vmul.f32 v1, v1  }
0x7b: {  	v1 =	vld [tilespmem:s13+$0x70]  }
0x7c: {  	v0 =	vadd.f32 v2, v0  }
0x7d: {  	_ =	sdelay $0x2  }
0x7e: {  	v1 =	vmul.f32 v1, v1  }
0x7f: {  	v2 =	vld [tilespmem:$0x400]  }
0x80: {  	s12 =	simm.s32 $0x100;
	s11 =	simm.s32 $0x80;
	v0 =	vadd.f32 v1, v0  }
0x81: {  	s12 =	sand.u32 $0x7800, s12;
	s13 =	sand.u32 $0x380, s11  }
0x82: {  	s13 =	sor.u32 s13, s12;
	[tilespmem:$0x8070] =	vst v0  }
0x83: {  	v1 =	vld [tilespmem:s13+$0x400]  }
0x84: {  	s12 =	simm.s32 $0x200;
	v0 =	vmul.f32 v2, v2  }
.LBB2_18:
0x85: {  	p0 =	sne.s32 s12, $0x7F00  }
.Ltmp8:
0x86: {  	s13 =	sand.u32 $0x7800, s12;
	s11 =	sadd.s32 $0x80, s11;
	(pc) =	sbr.rel @p0 .LBB2_18-.Ltmp8, $4  }
0x87: {  	s12 =	sadd.s32 $0x100, s12;
	s14 =	sand.u32 $0x380, s11  }
0x88: {  	s13 =	sor.u32 s14, s13;
	v2 =	vmul.f32 v1, v1  }
0x89: {  	v1 =	vld [tilespmem:s13+$0x400]  }
0x8a: {  	v0 =	vadd.f32 v2, v0  }
0x8b: {  	_ =	sdelay $0x2  }
0x8c: {  	v1 =	vmul.f32 v1, v1  }
0x8d: {  	v2 =	vld [tilespmem:$0x410]  }
0x8e: {  	s12 =	simm.s32 $0x100;
	s11 =	simm.s32 $0x80;
	v0 =	vadd.f32 v1, v0  }
0x8f: {  	s12 =	sand.u32 $0x7800, s12;
	s13 =	sand.u32 $0x380, s11  }
0x90: {  	s13 =	sor.u32 s13, s12;
	[tilespmem:$0x8080] =	vst v0  }
0x91: {  	v1 =	vld [tilespmem:s13+$0x410]  }
0x92: {  	s12 =	simm.s32 $0x200;
	v0 =	vmul.f32 v2, v2  }
.LBB2_20:
0x93: {  	p0 =	sne.s32 s12, $0x7F00  }
.Ltmp9:
0x94: {  	s13 =	sand.u32 $0x7800, s12;
	s11 =	sadd.s32 $0x80, s11;
	(pc) =	sbr.rel @p0 .LBB2_20-.Ltmp9, $4  }
0x95: {  	s12 =	sadd.s32 $0x100, s12;
	s14 =	sand.u32 $0x380, s11  }
0x96: {  	s13 =	sor.u32 s14, s13;
	v2 =	vmul.f32 v1, v1  }
0x97: {  	v1 =	vld [tilespmem:s13+$0x410]  }
0x98: {  	v0 =	vadd.f32 v2, v0  }
0x99: {  	_ =	sdelay $0x2  }
0x9a: {  	v1 =	vmul.f32 v1, v1  }
0x9b: {  	v2 =	vld [tilespmem:$0x420]  }
0x9c: {  	s12 =	simm.s32 $0x100;
	s11 =	simm.s32 $0x80;
	v0 =	vadd.f32 v1, v0  }
0x9d: {  	s12 =	sand.u32 $0x7800, s12;
	s13 =	sand.u32 $0x380, s11  }
0x9e: {  	s13 =	sor.u32 s13, s12;
	[tilespmem:$0x8090] =	vst v0  }
0x9f: {  	v1 =	vld [tilespmem:s13+$0x420]  }
0xa0: {  	s12 =	simm.s32 $0x200;
	v0 =	vmul.f32 v2, v2  }
.LBB2_22:
0xa1: {  	p0 =	sne.s32 s12, $0x7F00  }
.Ltmp10:
0xa2: {  	s13 =	sand.u32 $0x7800, s12;
	s11 =	sadd.s32 $0x80, s11;
	(pc) =	sbr.rel @p0 .LBB2_22-.Ltmp10, $4  }
0xa3: {  	s12 =	sadd.s32 $0x100, s12;
	s14 =	sand.u32 $0x380, s11  }
0xa4: {  	s13 =	sor.u32 s14, s13;
	v2 =	vmul.f32 v1, v1  }
0xa5: {  	v1 =	vld [tilespmem:s13+$0x420]  }
0xa6: {  	v0 =	vadd.f32 v2, v0  }
0xa7: {  	_ =	sdelay $0x2  }
0xa8: {  	v1 =	vmul.f32 v1, v1  }
0xa9: {  	v2 =	vld [tilespmem:$0x430]  }
0xaa: {  	s12 =	simm.s32 $0x100;
	s11 =	simm.s32 $0x80;
	v0 =	vadd.f32 v1, v0  }
0xab: {  	s12 =	sand.u32 $0x7800, s12;
	s13 =	sand.u32 $0x380, s11  }
0xac: {  	s13 =	sor.u32 s13, s12;
	[tilespmem:$0x80A0] =	vst v0  }
0xad: {  	v1 =	vld [tilespmem:s13+$0x430]  }
0xae: {  	s12 =	simm.s32 $0x200;
	v0 =	vmul.f32 v2, v2  }
.LBB2_24:
0xaf: {  	p0 =	sne.s32 s12, $0x7F00  }
.Ltmp11:
0xb0: {  	s13 =	sand.u32 $0x7800, s12;
	s11 =	sadd.s32 $0x80, s11;
	(pc) =	sbr.rel @p0 .LBB2_24-.Ltmp11, $4  }
0xb1: {  	s12 =	sadd.s32 $0x100, s12;
	s14 =	sand.u32 $0x380, s11  }
0xb2: {  	s13 =	sor.u32 s14, s13;
	v2 =	vmul.f32 v1, v1  }
0xb3: {  	v1 =	vld [tilespmem:s13+$0x430]  }
0xb4: {  	v0 =	vadd.f32 v2, v0  }
0xb5: {  	_ =	sdelay $0x2  }
0xb6: {  	v1 =	vmul.f32 v1, v1  }
0xb7: {  	v2 =	vld [tilespmem:$0x440]  }
0xb8: {  	s12 =	simm.s32 $0x100;
	s11 =	simm.s32 $0x80;
	v0 =	vadd.f32 v1, v0  }
0xb9: {  	s12 =	sand.u32 $0x7800, s12;
	s13 =	sand.u32 $0x380, s11  }
0xba: {  	s13 =	sor.u32 s13, s12;
	[tilespmem:$0x80B0] =	vst v0  }
0xbb: {  	v1 =	vld [tilespmem:s13+$0x440]  }
0xbc: {  	s12 =	simm.s32 $0x200;
	v0 =	vmul.f32 v2, v2  }
.LBB2_26:
0xbd: {  	p0 =	sne.s32 s12, $0x7F00  }
.Ltmp12:
0xbe: {  	s13 =	sand.u32 $0x7800, s12;
	s11 =	sadd.s32 $0x80, s11;
	(pc) =	sbr.rel @p0 .LBB2_26-.Ltmp12, $4  }
0xbf: {  	s12 =	sadd.s32 $0x100, s12;
	s14 =	sand.u32 $0x380, s11  }
0xc0: {  	s13 =	sor.u32 s14, s13;
	v2 =	vmul.f32 v1, v1  }
0xc1: {  	v1 =	vld [tilespmem:s13+$0x440]  }
0xc2: {  	v0 =	vadd.f32 v2, v0  }
0xc3: {  	_ =	sdelay $0x2  }
0xc4: {  	v1 =	vmul.f32 v1, v1  }
0xc5: {  	v2 =	vld [tilespmem:$0x450]  }
0xc6: {  	s12 =	simm.s32 $0x100;
	s11 =	simm.s32 $0x80;
	v0 =	vadd.f32 v1, v0  }
0xc7: {  	s12 =	sand.u32 $0x7800, s12;
	s13 =	sand.u32 $0x380, s11  }
0xc8: {  	s13 =	sor.u32 s13, s12;
	[tilespmem:$0x80C0] =	vst v0  }
0xc9: {  	v1 =	vld [tilespmem:s13+$0x450]  }
0xca: {  	s12 =	simm.s32 $0x200;
	v0 =	vmul.f32 v2, v2  }
.LBB2_28:
0xcb: {  	p0 =	sne.s32 s12, $0x7F00  }
.Ltmp13:
0xcc: {  	s13 =	sand.u32 $0x7800, s12;
	s11 =	sadd.s32 $0x80, s11;
	(pc) =	sbr.rel @p0 .LBB2_28-.Ltmp13, $4  }
0xcd: {  	s12 =	sadd.s32 $0x100, s12;
	s14 =	sand.u32 $0x380, s11  }
0xce: {  	s13 =	sor.u32 s14, s13;
	v2 =	vmul.f32 v1, v1  }
0xcf: {  	v1 =	vld [tilespmem:s13+$0x450]  }
0xd0: {  	v0 =	vadd.f32 v2, v0  }
0xd1: {  	_ =	sdelay $0x2  }
0xd2: {  	v1 =	vmul.f32 v1, v1  }
0xd3: {  	v2 =	vld [tilespmem:$0x460]  }
0xd4: {  	s12 =	simm.s32 $0x100;
	s11 =	simm.s32 $0x80;
	v0 =	vadd.f32 v1, v0  }
0xd5: {  	s12 =	sand.u32 $0x7800, s12;
	s13 =	sand.u32 $0x380, s11  }
0xd6: {  	s13 =	sor.u32 s13, s12;
	[tilespmem:$0x80D0] =	vst v0  }
0xd7: {  	v1 =	vld [tilespmem:s13+$0x460]  }
0xd8: {  	s12 =	simm.s32 $0x200;
	v0 =	vmul.f32 v2, v2  }
.LBB2_30:
0xd9: {  	p0 =	sne.s32 s12, $0x7F00  }
.Ltmp14:
0xda: {  	s13 =	sand.u32 $0x7800, s12;
	s11 =	sadd.s32 $0x80, s11;
	(pc) =	sbr.rel @p0 .LBB2_30-.Ltmp14, $4  }
0xdb: {  	s12 =	sadd.s32 $0x100, s12;
	s14 =	sand.u32 $0x380, s11  }
0xdc: {  	s13 =	sor.u32 s14, s13;
	v2 =	vmul.f32 v1, v1  }
0xdd: {  	v1 =	vld [tilespmem:s13+$0x460]  }
0xde: {  	v0 =	vadd.f32 v2, v0  }
0xdf: {  	_ =	sdelay $0x2  }
0xe0: {  	v1 =	vmul.f32 v1, v1  }
0xe1: {  	v2 =	vld [tilespmem:$0x470]  }
0xe2: {  	s12 =	simm.s32 $0x100;
	s11 =	simm.s32 $0x80;
	v0 =	vadd.f32 v1, v0  }
0xe3: {  	s12 =	sand.u32 $0x7800, s12;
	s13 =	sand.u32 $0x380, s11  }
0xe4: {  	s13 =	sor.u32 s13, s12;
	[tilespmem:$0x80E0] =	vst v0  }
0xe5: {  	v1 =	vld [tilespmem:s13+$0x470]  }
0xe6: {  	s12 =	simm.s32 $0x200;
	v0 =	vmul.f32 v2, v2  }
.LBB2_32:
0xe7: {  	p0 =	sne.s32 s12, $0x7F00  }
.Ltmp15:
0xe8: {  	s13 =	sand.u32 $0x7800, s12;
	s11 =	sadd.s32 $0x80, s11;
	(pc) =	sbr.rel @p0 .LBB2_32-.Ltmp15, $4  }
0xe9: {  	s12 =	sadd.s32 $0x100, s12;
	s14 =	sand.u32 $0x380, s11  }
0xea: {  	s13 =	sor.u32 s14, s13;
	v2 =	vmul.f32 v1, v1  }
0xeb: {  	v1 =	vld [tilespmem:s13+$0x470]  }
0xec: {  	v0 =	vadd.f32 v2, v0  }
0xed: {  	_ =	sdelay $0x2  }
0xee: {  	v1 =	vmul.f32 v1, v1;
	_ =	sdelay $0x1  }
0xef: {  	s10 =	sadd.s32 $0x1, s10;
	v0 =	vadd.f32 v1, v0  }
0xf0: {  	p0 =	sne.s32 s10, s5  }
.Ltmp16:
0xf1: {  	[tilespmem:$0x80F0] =	vst v0;
	(pc) =	sbr.rel @p0 .LBB2_1-.Ltmp16, $4  }
0xf2: {  	[hbm4b:s4+s2] =	stream.linear.scatter [tilespmem:s9], [sflag:$0x1], $0x100, $0x38;
	[tilespmem:$0x8100] =	vst v63  }
0xf3: {  	_ =	swait.ge [sflag:s8], $0x100  }
0xf4: {  	[sflag:s8] =	ssyncset.done $0x0  }
0xf5: {  	[sflag:s8] =	ssyncadd.s32 $0xFFFFFF00  }
0xf6: {  	_ =	sfence.sel $0x180000  }
0xf7: {  	[bflag:$0x0] =	sbarrier.arrive $0xFFFF  }
0xf8: {  	p0 =	sne.s32 s1, $0x0;
	_ =	strace $0x90000047  }
0xf9: {  	s0 =	sadd.s32 @!p0 $0x100000, s0;
	[bflag:$0x2] =	sbarrier.arrive $0xFFFF  }
0xfa: {  	[sflag:s0] =	ssyncadd.tile.s32 @!p0 $0x1;
	_ =	shalt  }
.Lfunc_end2:
_tile_overlayer_lowered:
.L_overlay_start_2:
0xfb: {  	(tag) =	ssettag $0x2  }
0xfc: {  	s0 =	rddreg [dreg:$0x0];
	s2 =	stileid.u32  }
0xfd: {  	s1 =	rddreg [dreg:$0x1];
	p0 =	sne.s32 s2, $0x0  }
0xfe: {  	s3 =	rddreg [dreg:$0x2];
	[bflag:$0x3] =	sbarrier.arrive $0xFFFF;
	s2 =	simm.s32 @!p0 $0x1C01  }
0xff: {  	[timem:s3], [sflag:s2] =	dma.local @!p0 [hbm:s0], s1  }
0x100: {  	s0 =	simm.s32 @!p0 $0x1  }
0x101: {  	_ =	swait.ge @!p0 [sflag:s0], s1  }
0x102: {  	s1 =	ssub.s32 @!p0 $0x0, s1;
	[sflag:s0] =	ssyncset.done @!p0 $0x0  }
0x103: {  	[sflag:s0] =	ssyncadd.s32 @!p0 s1  }
0x104: {  	[bflag:$0x3] =	sbarrier.arrive $0xFFFF  }
0x105: {  	_ =	shalt  }

</sc_bundles>
